<compile_context>
chip_gen: v7x
topology: tpu7x:2x2x1
jax: 0.10.2.dev20260603
libtpu: 0.0.44.dev20260713+nightly
codegen_flags: <defaults>
</compile_context>

<pallas_src>
import functools

import jax
import jax.numpy as jnp
from jax import lax
from jax.experimental import pallas as pl
from jax.experimental.pallas import tpu as pltpu
from jax.experimental.pallas import tpu_sc as plsc

K = 1024
D = 64
BETA = 0.25
N_BATCH = 16
T = 1024
N_TOK = N_BATCH * T


def _dist_kernel(x_ref, e_ref, zq_ref, idx_ref, loss_ref, en_ref, e2_ref):
    ze = x_ref[0]
    e = e_ref[...]

    @pl.when(pl.program_id(0) == 0)
    def _():
        en_ref[...] = jnp.sum(e * e, axis=1, keepdims=True)
        e2_ref[...] = -2.0 * e

    zn = jnp.sum(ze * ze, axis=0, keepdims=True)
    s2 = lax.dot_general(e2_ref[...], ze, (((1,), (0,)), ((), ())),
                         preferred_element_type=jnp.float32)
    dist = (zn + en_ref[...]) + s2
    minv = jnp.min(dist, axis=0, keepdims=True)
    col = lax.broadcasted_iota(jnp.int32, (K, 1), 0).astype(jnp.float32)
    idxf = jnp.min(jnp.where(dist == minv, col, float(K)), axis=0,
                   keepdims=True)
    idx_ref[0] = idxf.astype(jnp.int32)
    onehot = (col == idxf).astype(jnp.float32)
    zq_ref[0] = lax.dot_general(e, onehot, (((0,), (0,)), ((), ())),
                                preferred_element_type=jnp.float32)
    part = jnp.sum(minv, keepdims=True)

    @pl.when(pl.program_id(0) == 0)
    def _():
        loss_ref[...] = part

    @pl.when(pl.program_id(0) != 0)
    def _():
        loss_ref[...] += part


def _distances(x, e_weight):
    return pl.pallas_call(
        _dist_kernel,
        grid=(N_BATCH,),
        in_specs=[
            pl.BlockSpec((1, D, T), lambda n: (n, 0, 0)),
            pl.BlockSpec((K, D), lambda n: (0, 0)),
        ],
        out_specs=[
            pl.BlockSpec((1, D, T), lambda n: (n, 0, 0)),
            pl.BlockSpec((1, 1, T), lambda n: (n, 0, 0)),
            pl.BlockSpec((1, 1), lambda n: (0, 0)),
        ],
        out_shape=[
            jax.ShapeDtypeStruct((N_BATCH, D, T), jnp.float32),
            jax.ShapeDtypeStruct((N_BATCH, 1, T), jnp.int32),
            jax.ShapeDtypeStruct((1, 1), jnp.float32),
        ],
        scratch_shapes=[pltpu.VMEM((K, 1), jnp.float32),
                        pltpu.VMEM((K, D), jnp.float32)],
        compiler_params=pltpu.CompilerParams(
            allow_input_fusion=[True, False]),
    )(x, e_weight)


_NC, _NS = 2, 16
_NW = _NC * _NS
_TPW = N_TOK // _NW
_CHUNK = 128
_NCHUNK = _TPW // _CHUNK


def _sc_hist_kernel(idx_hbm, hist_hbm, idx_v, hist_v):
    wid = lax.axis_index("s") * _NC + lax.axis_index("c")
    base = wid * _NCHUNK
    pltpu.sync_copy(idx_hbm.at[pl.ds(base, _NCHUNK)], idx_v)
    zeros = jnp.zeros((16,), jnp.float32)
    for i in range(K // 16):
        hist_v[pl.ds(i * 16, 16)] = zeros
    ones = jnp.ones((16,), jnp.float32)
    for j in range(_NCHUNK):
        for t in range(_CHUNK // 16):
            v = idx_v[j, pl.ds(t * 16, 16)]
            plsc.addupdate_scatter(hist_v, [v], ones)
    pltpu.sync_copy(hist_v, hist_hbm.at[wid])


@functools.cache
def _sc_hist():
    return pl.kernel(
        _sc_hist_kernel,
        mesh=plsc.VectorSubcoreMesh(core_axis_name="c", subcore_axis_name="s"),
        out_type=[
            jax.ShapeDtypeStruct((_NW, K), jnp.float32),
        ],
        scratch_types=[
            pltpu.VMEM((_NCHUNK, _CHUNK), jnp.int32),
            pltpu.VMEM((K,), jnp.float32),
        ],
        compiler_params=pltpu.CompilerParams(
            needs_layout_passes=False, use_tc_tiling_on_sc=False),
    )


def _finalize_kernel(hist_ref, loss_ref, eq_ref, el_ref, ql_ref, est_ref):
    h = hist_ref[...]
    counts = jnp.sum(h, axis=0, keepdims=True)
    tot = jnp.sum(counts)
    prob = counts / tot
    log_prob = jnp.log2(prob + 1e-10)
    ent = -jnp.sum(prob * log_prob, keepdims=True)
    est_ref[...] = jnp.exp(ent * 0.6931471805599453)
    el = loss_ref[...] * (1.0 / (N_TOK * D))
    el_ref[...] = el
    ql_ref[...] = el
    eq_ref[...] = el + BETA * el


def _finalize(hist, loss_sum):
    return pl.pallas_call(
        _finalize_kernel,
        in_specs=[
            pl.BlockSpec((_NW, K), lambda: (0, 0)),
            pl.BlockSpec((1, 1), lambda: (0, 0)),
        ],
        out_specs=[pl.BlockSpec((1, 1), lambda: (0, 0))] * 4,
        out_shape=[jax.ShapeDtypeStruct((1, 1), jnp.float32)] * 4,
    )(hist, loss_sum)


def kernel(inputs, E_weight):
    x = inputs.reshape(N_BATCH, D, T)
    zq3, idx3, loss_sum = _distances(x, E_weight)
    idx128 = idx3.reshape(_NW * _NCHUNK, _CHUNK)
    (hist,) = _sc_hist()(idx128)
    eq, el, ql, est = _finalize(hist, loss_sum)
    zq = zq3.reshape(N_BATCH, D, 32, 32)
    return (eq[0, 0], zq, el[0, 0], ql[0, 0], est[0, 0])

# --- scband reference (transcript-rebuilt; emitter-appended) ---
"""Pipeline reference for scband-vector-quantizer-24550033063937 (READ-ONLY COPY).

The authoritative reference and input builder live on the scoring server;
editing this copy changes nothing except your own understanding.
"""

import jax, jax.numpy as jnp
import numpy as np

K = 1024
D = 64
BETA = 0.25

def setup_inputs(seed: int = 0) -> dict:
    key = jax.random.key(seed)
    k1, k2 = jax.random.split(key)
    inputs = jax.random.normal(k1, (16, 64, 32, 32), dtype=jnp.float32)
    E_weight = jax.random.uniform(k2, (K, D), minval=-1.0 / K, maxval=1.0 / K, dtype=jnp.float32)
    return {"inputs": inputs, "E_weight": E_weight}

def reference(inputs, E_weight):
    # permute NCHW -> NHWC and flatten to tokens
    Ze_tensor = jnp.transpose(inputs, (0, 2, 3, 1))
    Ze_shape = Ze_tensor.shape
    Ze = Ze_tensor.reshape(-1, D)
    # squared L2 distances to codebook
    dist = (jnp.sum(Ze ** 2, axis=1, keepdims=True)
            + jnp.sum(E_weight ** 2, axis=1)
            - 2.0 * jnp.matmul(Ze, E_weight.T))
    encoding_indices = jnp.argmin(dist, axis=1)
    Zq_tensor = jnp.take(E_weight, encoding_indices, axis=0).reshape(Ze_shape)
    # losses (use_EMA = False path)
    e_latent_loss = jnp.mean((jax.lax.stop_gradient(Zq_tensor) - Ze_tensor) ** 2)
    q_latent_loss = jnp.mean((Zq_tensor - jax.lax.stop_gradient(Ze_tensor)) ** 2)
    e_and_q_latent_loss = q_latent_loss + BETA * e_latent_loss
    # straight-through estimator
    Zq_st = Ze_tensor + jax.lax.stop_gradient(Zq_tensor - Ze_tensor)
    Zq = jnp.transpose(Zq_st, (0, 3, 1, 2))
    # codebook usage statistics (unique + counts -> bincount)
    counts = jnp.bincount(encoding_indices, length=K).astype(jnp.float32)
    counts = jax.lax.stop_gradient(counts)
    prob = counts / jnp.sum(counts)
    log_prob = jnp.log2(prob + 1e-10)
    entropy_bits = -jnp.sum(prob * log_prob)
    estimate_codebook_words = 2.0 ** entropy_bits
    return (e_and_q_latent_loss, Zq, e_latent_loss, q_latent_loss, estimate_codebook_words)

if __name__ == "__main__":
    import jax
    _d = setup_inputs()
    print(jax.jit(kernel)(*tuple(_d.values())))

</pallas_src>

<mosaic_0001>
#map = affine_map<(d0, d1) -> (0, 0)>
module attributes {stable_mosaic.version = 14 : i64} {
  func.func @_sc_hist_kernel(%arg0: i32, %arg1: i32, %arg2: memref<128x128xi32, #tpu.memory_space<hbm>>, %arg3: memref<32x1024xf32, #tpu.memory_space<hbm>>, %arg4: memref<4x128xi32, #tpu.memory_space<vmem>>, %arg5: memref<1024xf32, #tpu.memory_space<vmem>>) attributes {dimension_semantics = [#tpu.dimension_semantics<core_parallel>, #tpu.dimension_semantics<subcore_parallel>], iteration_bounds = array<i64: 2, 16>, scalar_prefetch = 0 : i64, scratch_operands = 2 : i64, tpu.core_type = #tpu.core_type<sc_vector_subcore>, window_params = [{transform_indices = #map}, {transform_indices = #map}]} {
    %mul3A = arith.constant 2 : i32
    %mul3A_0 = arith.muli %arg1, %mul3A : i32
    %add3A = arith.addi %mul3A_0, %arg0 : i32
    %mul3A_1 = arith.constant 4 : i32
    %mul3A_2 = arith.muli %add3A, %mul3A_1 : i32
    "tpu.region"() ({
      %run_scoped3A = tpu.sem_alloc : memref<!tpu.dma_semaphore, #tpu.memory_space<semaphore_mem>>
      %dma_start3A = arith.constant 0 : i32
      %dma_start3A_260 = tpu.memref_slice %arg2[%mul3A_2, %dma_start3A] : memref<128x128xi32, #tpu.memory_space<hbm>> -> memref<4x128xi32, #tpu.memory_space<hbm>>
      %dma_start3A_261 = arith.constant 0 : i32
      %dma_start3A_262 = tpu.memref_slice %arg2[%mul3A_2, %dma_start3A_261] : memref<128x128xi32, #tpu.memory_space<hbm>> -> memref<4x128xi32, #tpu.memory_space<hbm>>
      tpu.enqueue_dma source(%dma_start3A_262 : memref<4x128xi32, #tpu.memory_space<hbm>>) target(%arg4 : memref<4x128xi32, #tpu.memory_space<vmem>>) target_semaphore(%run_scoped3A : memref<!tpu.dma_semaphore, #tpu.memory_space<semaphore_mem>>)
      %dma_wait3A = arith.constant 0 : i32
      %dma_wait3A_263 = tpu.memref_slice %arg2[%mul3A_2, %dma_wait3A] : memref<128x128xi32, #tpu.memory_space<hbm>> -> memref<4x128xi32, #tpu.memory_space<hbm>>
      %dma_wait3A_264 = arith.constant 0 : i32
      %dma_wait3A_265 = tpu.memref_slice %arg2[%mul3A_2, %dma_wait3A_264] : memref<128x128xi32, #tpu.memory_space<hbm>> -> memref<4x128xi32, #tpu.memory_space<hbm>>
      tpu.wait_dma2 semaphore(%run_scoped3A : memref<!tpu.dma_semaphore, #tpu.memory_space<semaphore_mem>>) src(%dma_wait3A_265 : memref<4x128xi32, #tpu.memory_space<hbm>>) dst(%arg4 : memref<4x128xi32, #tpu.memory_space<vmem>>)
      tpu.yield
    }) : () -> ()
    %broadcast_in_dim3A = arith.constant 0.000000e+00 : f32
    %broadcast_in_dim3A_3 = vector.broadcast %broadcast_in_dim3A : f32 to vector<16xf32>
    %swap3A = arith.constant 0 : index
    %swap3A_4 = tpu.vector_load %arg5[%swap3A] {strides = array<i32>} : memref<1024xf32, #tpu.memory_space<vmem>>, vector<16xf32>,
    tpu.vector_store %arg5[%swap3A], %broadcast_in_dim3A_3 {strides = array<i32>} : memref<1024xf32, #tpu.memory_space<vmem>>, vector<16xf32>,
    %swap3A_5 = arith.constant 16 : index
    %swap3A_6 = tpu.vector_load %arg5[%swap3A_5] {strides = array<i32>} : memref<1024xf32, #tpu.memory_space<vmem>>, vector<16xf32>,
    tpu.vector_store %arg5[%swap3A_5], %broadcast_in_dim3A_3 {strides = array<i32>} : memref<1024xf32, #tpu.memory_space<vmem>>, vector<16xf32>,
    %swap3A_7 = arith.constant 32 : index
    %swap3A_8 = tpu.vector_load %arg5[%swap3A_7] {strides = array<i32>} : memref<1024xf32, #tpu.memory_space<vmem>>, vector<16xf32>,
    tpu.vector_store %arg5[%swap3A_7], %broadcast_in_dim3A_3 {strides = array<i32>} : memref<1024xf32, #tpu.memory_space<vmem>>, vector<16xf32>,
    %swap3A_9 = arith.constant 48 : index
    %swap3A_10 = tpu.vector_load %arg5[%swap3A_9] {strides = array<i32>} : memref<1024xf32, #tpu.memory_space<vmem>>, vector<16xf32>,
    tpu.vector_store %arg5[%swap3A_9], %broadcast_in_dim3A_3 {strides = array<i32>} : memref<1024xf32, #tpu.memory_space<vmem>>, vector<16xf32>,
    %swap3A_11 = arith.constant 64 : index
    %swap3A_12 = tpu.vector_load %arg5[%swap3A_11] {strides = array<i32>} : memref<1024xf32, #tpu.memory_space<vmem>>, vector<16xf32>,
    tpu.vector_store %arg5[%swap3A_11], %broadcast_in_dim3A_3 {strides = array<i32>} : memref<1024xf32, #tpu.memory_space<vmem>>, vector<16xf32>,
    %swap3A_13 = arith.constant 80 : index
    %swap3A_14 = tpu.vector_load %arg5[%swap3A_13] {strides = array<i32>} : memref<1024xf32, #tpu.memory_space<vmem>>, vector<16xf32>,
    tpu.vector_store %arg5[%swap3A_13], %broadcast_in_dim3A_3 {strides = array<i32>} : memref<1024xf32, #tpu.memory_space<vmem>>, vector<16xf32>,
    %swap3A_15 = arith.constant 96 : index
    %swap3A_16 = tpu.vector_load %arg5[%swap3A_15] {strides = array<i32>} : memref<1024xf32, #tpu.memory_space<vmem>>, vector<16xf32>,
    tpu.vector_store %arg5[%swap3A_15], %broadcast_in_dim3A_3 {strides = array<i32>} : memref<1024xf32, #tpu.memory_space<vmem>>, vector<16xf32>,
    %swap3A_17 = arith.constant 112 : index
    %swap3A_18 = tpu.vector_load %arg5[%swap3A_17] {strides = array<i32>} : memref<1024xf32, #tpu.memory_space<vmem>>, vector<16xf32>,
    tpu.vector_store %arg5[%swap3A_17], %broadcast_in_dim3A_3 {strides = array<i32>} : memref<1024xf32, #tpu.memory_space<vmem>>, vector<16xf32>,
    %swap3A_19 = arith.constant 128 : index
    %swap3A_20 = tpu.vector_load %arg5[%swap3A_19] {strides = array<i32>} : memref<1024xf32, #tpu.memory_space<vmem>>, vector<16xf32>,
    tpu.vector_store %arg5[%swap3A_19], %broadcast_in_dim3A_3 {strides = array<i32>} : memref<1024xf32, #tpu.memory_space<vmem>>, vector<16xf32>,
    %swap3A_21 = arith.constant 144 : index
    %swap3A_22 = tpu.vector_load %arg5[%swap3A_21] {strides = array<i32>} : memref<1024xf32, #tpu.memory_space<vmem>>, vector<16xf32>,
    tpu.vector_store %arg5[%swap3A_21], %broadcast_in_dim3A_3 {strides = array<i32>} : memref<1024xf32, #tpu.memory_space<vmem>>, vector<16xf32>,
    %swap3A_23 = arith.constant 160 : index
    %swap3A_24 = tpu.vector_load %arg5[%swap3A_23] {strides = array<i32>} : memref<1024xf32, #tpu.memory_space<vmem>>, vector<16xf32>,
    tpu.vector_store %arg5[%swap3A_23], %broadcast_in_dim3A_3 {strides = array<i32>} : memref<1024xf32, #tpu.memory_space<vmem>>, vector<16xf32>,
    %swap3A_25 = arith.constant 176 : index
    %swap3A_26 = tpu.vector_load %arg5[%swap3A_25] {strides = array<i32>} : memref<1024xf32, #tpu.memory_space<vmem>>, vector<16xf32>,
    tpu.vector_store %arg5[%swap3A_25], %broadcast_in_dim3A_3 {strides = array<i32>} : memref<1024xf32, #tpu.memory_space<vmem>>, vector<16xf32>,
    %swap3A_27 = arith.constant 192 : index
    %swap3A_28 = tpu.vector_load %arg5[%swap3A_27] {strides = array<i32>} : memref<1024xf32, #tpu.memory_space<vmem>>, vector<16xf32>,
    tpu.vector_store %arg5[%swap3A_27], %broadcast_in_dim3A_3 {strides = array<i32>} : memref<1024xf32, #tpu.memory_space<vmem>>, vector<16xf32>,
    %swap3A_29 = arith.constant 208 : index
    %swap3A_30 = tpu.vector_load %arg5[%swap3A_29] {strides = array<i32>} : memref<1024xf32, #tpu.memory_space<vmem>>, vector<16xf32>,
    tpu.vector_store %arg5[%swap3A_29], %broadcast_in_dim3A_3 {strides = array<i32>} : memref<1024xf32, #tpu.memory_space<vmem>>, vector<16xf32>,
    %swap3A_31 = arith.constant 224 : index
    %swap3A_32 = tpu.vector_load %arg5[%swap3A_31] {strides = array<i32>} : memref<1024xf32, #tpu.memory_space<vmem>>, vector<16xf32>,
    tpu.vector_store %arg5[%swap3A_31], %broadcast_in_dim3A_3 {strides = array<i32>} : memref<1024xf32, #tpu.memory_space<vmem>>, vector<16xf32>,
    %swap3A_33 = arith.constant 240 : index
    %swap3A_34 = tpu.vector_load %arg5[%swap3A_33] {strides = array<i32>} : memref<1024xf32, #tpu.memory_space<vmem>>, vector<16xf32>,
    tpu.vector_store %arg5[%swap3A_33], %broadcast_in_dim3A_3 {strides = array<i32>} : memref<1024xf32, #tpu.memory_space<vmem>>, vector<16xf32>,
    %swap3A_35 = arith.constant 256 : index
    %swap3A_36 = tpu.vector_load %arg5[%swap3A_35] {strides = array<i32>} : memref<1024xf32, #tpu.memory_space<vmem>>, vector<16xf32>,
    tpu.vector_store %arg5[%swap3A_35], %broadcast_in_dim3A_3 {strides = array<i32>} : memref<1024xf32, #tpu.memory_space<vmem>>, vector<16xf32>,
    %swap3A_37 = arith.constant 272 : index
    %swap3A_38 = tpu.vector_load %arg5[%swap3A_37] {strides = array<i32>} : memref<1024xf32, #tpu.memory_space<vmem>>, vector<16xf32>,
    tpu.vector_store %arg5[%swap3A_37], %broadcast_in_dim3A_3 {strides = array<i32>} : memref<1024xf32, #tpu.memory_space<vmem>>, vector<16xf32>,
    %swap3A_39 = arith.constant 288 : index
    %swap3A_40 = tpu.vector_load %arg5[%swap3A_39] {strides = array<i32>} : memref<1024xf32, #tpu.memory_space<vmem>>, vector<16xf32>,
    tpu.vector_store %arg5[%swap3A_39], %broadcast_in_dim3A_3 {strides = array<i32>} : memref<1024xf32, #tpu.memory_space<vmem>>, vector<16xf32>,
    %swap3A_41 = arith.constant 304 : index
    %swap3A_42 = tpu.vector_load %arg5[%swap3A_41] {strides = array<i32>} : memref<1024xf32, #tpu.memory_space<vmem>>, vector<16xf32>,
    tpu.vector_store %arg5[%swap3A_41], %broadcast_in_dim3A_3 {strides = array<i32>} : memref<1024xf32, #tpu.memory_space<vmem>>, vector<16xf32>,
    %swap3A_43 = arith.constant 320 : index
    %swap3A_44 = tpu.vector_load %arg5[%swap3A_43] {strides = array<i32>} : memref<1024xf32, #tpu.memory_space<vmem>>, vector<16xf32>,
    tpu.vector_store %arg5[%swap3A_43], %broadcast_in_dim3A_3 {strides = array<i32>} : memref<1024xf32, #tpu.memory_space<vmem>>, vector<16xf32>,
    %swap3A_45 = arith.constant 336 : index
    %swap3A_46 = tpu.vector_load %arg5[%swap3A_45] {strides = array<i32>} : memref<1024xf32, #tpu.memory_space<vmem>>, vector<16xf32>,
    tpu.vector_store %arg5[%swap3A_45], %broadcast_in_dim3A_3 {strides = array<i32>} : memref<1024xf32, #tpu.memory_space<vmem>>, vector<16xf32>,
    %swap3A_47 = arith.constant 352 : index
    %swap3A_48 = tpu.vector_load %arg5[%swap3A_47] {strides = array<i32>} : memref<1024xf32, #tpu.memory_space<vmem>>, vector<16xf32>,
    tpu.vector_store %arg5[%swap3A_47], %broadcast_in_dim3A_3 {strides = array<i32>} : memref<1024xf32, #tpu.memory_space<vmem>>, vector<16xf32>,
    %swap3A_49 = arith.constant 368 : index
    %swap3A_50 = tpu.vector_load %arg5[%swap3A_49] {strides = array<i32>} : memref<1024xf32, #tpu.memory_space<vmem>>, vector<16xf32>,
    tpu.vector_store %arg5[%swap3A_49], %broadcast_in_dim3A_3 {strides = array<i32>} : memref<1024xf32, #tpu.memory_space<vmem>>, vector<16xf32>,
    %swap3A_51 = arith.constant 384 : index
    %swap3A_52 = tpu.vector_load %arg5[%swap3A_51] {strides = array<i32>} : memref<1024xf32, #tpu.memory_space<vmem>>, vector<16xf32>,
    tpu.vector_store %arg5[%swap3A_51], %broadcast_in_dim3A_3 {strides = array<i32>} : memref<1024xf32, #tpu.memory_space<vmem>>, vector<16xf32>,
    %swap3A_53 = arith.constant 400 : index
    %swap3A_54 = tpu.vector_load %arg5[%swap3A_53] {strides = array<i32>} : memref<1024xf32, #tpu.memory_space<vmem>>, vector<16xf32>,
    tpu.vector_store %arg5[%swap3A_53], %broadcast_in_dim3A_3 {strides = array<i32>} : memref<1024xf32, #tpu.memory_space<vmem>>, vector<16xf32>,
    %swap3A_55 = arith.constant 416 : index
    %swap3A_56 = tpu.vector_load %arg5[%swap3A_55] {strides = array<i32>} : memref<1024xf32, #tpu.memory_space<vmem>>, vector<16xf32>,
    tpu.vector_store %arg5[%swap3A_55], %broadcast_in_dim3A_3 {strides = array<i32>} : memref<1024xf32, #tpu.memory_space<vmem>>, vector<16xf32>,
    %swap3A_57 = arith.constant 432 : index
    %swap3A_58 = tpu.vector_load %arg5[%swap3A_57] {strides = array<i32>} : memref<1024xf32, #tpu.memory_space<vmem>>, vector<16xf32>,
    tpu.vector_store %arg5[%swap3A_57], %broadcast_in_dim3A_3 {strides = array<i32>} : memref<1024xf32, #tpu.memory_space<vmem>>, vector<16xf32>,
    %swap3A_59 = arith.constant 448 : index
    %swap3A_60 = tpu.vector_load %arg5[%swap3A_59] {strides = array<i32>} : memref<1024xf32, #tpu.memory_space<vmem>>, vector<16xf32>,
    tpu.vector_store %arg5[%swap3A_59], %broadcast_in_dim3A_3 {strides = array<i32>} : memref<1024xf32, #tpu.memory_space<vmem>>, vector<16xf32>,
    %swap3A_61 = arith.constant 464 : index
    %swap3A_62 = tpu.vector_load %arg5[%swap3A_61] {strides = array<i32>} : memref<1024xf32, #tpu.memory_space<vmem>>, vector<16xf32>,
    tpu.vector_store %arg5[%swap3A_61], %broadcast_in_dim3A_3 {strides = array<i32>} : memref<1024xf32, #tpu.memory_space<vmem>>, vector<16xf32>,
    %swap3A_63 = arith.constant 480 : index
    %swap3A_64 = tpu.vector_load %arg5[%swap3A_63] {strides = array<i32>} : memref<1024xf32, #tpu.memory_space<vmem>>, vector<16xf32>,
    tpu.vector_store %arg5[%swap3A_63], %broadcast_in_dim3A_3 {strides = array<i32>} : memref<1024xf32, #tpu.memory_space<vmem>>, vector<16xf32>,
    %swap3A_65 = arith.constant 496 : index
    %swap3A_66 = tpu.vector_load %arg5[%swap3A_65] {strides = array<i32>} : memref<1024xf32, #tpu.memory_space<vmem>>, vector<16xf32>,
    tpu.vector_store %arg5[%swap3A_65], %broadcast_in_dim3A_3 {strides = array<i32>} : memref<1024xf32, #tpu.memory_space<vmem>>, vector<16xf32>,
    %swap3A_67 = arith.constant 512 : index
    %swap3A_68 = tpu.vector_load %arg5[%swap3A_67] {strides = array<i32>} : memref<1024xf32, #tpu.memory_space<vmem>>, vector<16xf32>,
    tpu.vector_store %arg5[%swap3A_67], %broadcast_in_dim3A_3 {strides = array<i32>} : memref<1024xf32, #tpu.memory_space<vmem>>, vector<16xf32>,
    %swap3A_69 = arith.constant 528 : index
    %swap3A_70 = tpu.vector_load %arg5[%swap3A_69] {strides = array<i32>} : memref<1024xf32, #tpu.memory_space<vmem>>, vector<16xf32>,
    tpu.vector_store %arg5[%swap3A_69], %broadcast_in_dim3A_3 {strides = array<i32>} : memref<1024xf32, #tpu.memory_space<vmem>>, vector<16xf32>,
    %swap3A_71 = arith.constant 544 : index
    %swap3A_72 = tpu.vector_load %arg5[%swap3A_71] {strides = array<i32>} : memref<1024xf32, #tpu.memory_space<vmem>>, vector<16xf32>,
    tpu.vector_store %arg5[%swap3A_71], %broadcast_in_dim3A_3 {strides = array<i32>} : memref<1024xf32, #tpu.memory_space<vmem>>, vector<16xf32>,
    %swap3A_73 = arith.constant 560 : index
    %swap3A_74 = tpu.vector_load %arg5[%swap3A_73] {strides = array<i32>} : memref<1024xf32, #tpu.memory_space<vmem>>, vector<16xf32>,
    tpu.vector_store %arg5[%swap3A_73], %broadcast_in_dim3A_3 {strides = array<i32>} : memref<1024xf32, #tpu.memory_space<vmem>>, vector<16xf32>,
    %swap3A_75 = arith.constant 576 : index
    %swap3A_76 = tpu.vector_load %arg5[%swap3A_75] {strides = array<i32>} : memref<1024xf32, #tpu.memory_space<vmem>>, vector<16xf32>,
    tpu.vector_store %arg5[%swap3A_75], %broadcast_in_dim3A_3 {strides = array<i32>} : memref<1024xf32, #tpu.memory_space<vmem>>, vector<16xf32>,
    %swap3A_77 = arith.constant 592 : index
    %swap3A_78 = tpu.vector_load %arg5[%swap3A_77] {strides = array<i32>} : memref<1024xf32, #tpu.memory_space<vmem>>, vector<16xf32>,
    tpu.vector_store %arg5[%swap3A_77], %broadcast_in_dim3A_3 {strides = array<i32>} : memref<1024xf32, #tpu.memory_space<vmem>>, vector<16xf32>,
    %swap3A_79 = arith.constant 608 : index
    %swap3A_80 = tpu.vector_load %arg5[%swap3A_79] {strides = array<i32>} : memref<1024xf32, #tpu.memory_space<vmem>>, vector<16xf32>,
    tpu.vector_store %arg5[%swap3A_79], %broadcast_in_dim3A_3 {strides = array<i32>} : memref<1024xf32, #tpu.memory_space<vmem>>, vector<16xf32>,
    %swap3A_81 = arith.constant 624 : index
    %swap3A_82 = tpu.vector_load %arg5[%swap3A_81] {strides = array<i32>} : memref<1024xf32, #tpu.memory_space<vmem>>, vector<16xf32>,
    tpu.vector_store %arg5[%swap3A_81], %broadcast_in_dim3A_3 {strides = array<i32>} : memref<1024xf32, #tpu.memory_space<vmem>>, vector<16xf32>,
    %swap3A_83 = arith.constant 640 : index
    %swap3A_84 = tpu.vector_load %arg5[%swap3A_83] {strides = array<i32>} : memref<1024xf32, #tpu.memory_space<vmem>>, vector<16xf32>,
    tpu.vector_store %arg5[%swap3A_83], %broadcast_in_dim3A_3 {strides = array<i32>} : memref<1024xf32, #tpu.memory_space<vmem>>, vector<16xf32>,
    %swap3A_85 = arith.constant 656 : index
    %swap3A_86 = tpu.vector_load %arg5[%swap3A_85] {strides = array<i32>} : memref<1024xf32, #tpu.memory_space<vmem>>, vector<16xf32>,
    tpu.vector_store %arg5[%swap3A_85], %broadcast_in_dim3A_3 {strides = array<i32>} : memref<1024xf32, #tpu.memory_space<vmem>>, vector<16xf32>,
    %swap3A_87 = arith.constant 672 : index
    %swap3A_88 = tpu.vector_load %arg5[%swap3A_87] {strides = array<i32>} : memref<1024xf32, #tpu.memory_space<vmem>>, vector<16xf32>,
    tpu.vector_store %arg5[%swap3A_87], %broadcast_in_dim3A_3 {strides = array<i32>} : memref<1024xf32, #tpu.memory_space<vmem>>, vector<16xf32>,
    %swap3A_89 = arith.constant 688 : index
    %swap3A_90 = tpu.vector_load %arg5[%swap3A_89] {strides = array<i32>} : memref<1024xf32, #tpu.memory_space<vmem>>, vector<16xf32>,
    tpu.vector_store %arg5[%swap3A_89], %broadcast_in_dim3A_3 {strides = array<i32>} : memref<1024xf32, #tpu.memory_space<vmem>>, vector<16xf32>,
    %swap3A_91 = arith.constant 704 : index
    %swap3A_92 = tpu.vector_load %arg5[%swap3A_91] {strides = array<i32>} : memref<1024xf32, #tpu.memory_space<vmem>>, vector<16xf32>,
    tpu.vector_store %arg5[%swap3A_91], %broadcast_in_dim3A_3 {strides = array<i32>} : memref<1024xf32, #tpu.memory_space<vmem>>, vector<16xf32>,
    %swap3A_93 = arith.constant 720 : index
    %swap3A_94 = tpu.vector_load %arg5[%swap3A_93] {strides = array<i32>} : memref<1024xf32, #tpu.memory_space<vmem>>, vector<16xf32>,
    tpu.vector_store %arg5[%swap3A_93], %broadcast_in_dim3A_3 {strides = array<i32>} : memref<1024xf32, #tpu.memory_space<vmem>>, vector<16xf32>,
    %swap3A_95 = arith.constant 736 : index
    %swap3A_96 = tpu.vector_load %arg5[%swap3A_95] {strides = array<i32>} : memref<1024xf32, #tpu.memory_space<vmem>>, vector<16xf32>,
    tpu.vector_store %arg5[%swap3A_95], %broadcast_in_dim3A_3 {strides = array<i32>} : memref<1024xf32, #tpu.memory_space<vmem>>, vector<16xf32>,
    %swap3A_97 = arith.constant 752 : index
    %swap3A_98 = tpu.vector_load %arg5[%swap3A_97] {strides = array<i32>} : memref<1024xf32, #tpu.memory_space<vmem>>, vector<16xf32>,
    tpu.vector_store %arg5[%swap3A_97], %broadcast_in_dim3A_3 {strides = array<i32>} : memref<1024xf32, #tpu.memory_space<vmem>>, vector<16xf32>,
    %swap3A_99 = arith.constant 768 : index
    %swap3A_100 = tpu.vector_load %arg5[%swap3A_99] {strides = array<i32>} : memref<1024xf32, #tpu.memory_space<vmem>>, vector<16xf32>,
    tpu.vector_store %arg5[%swap3A_99], %broadcast_in_dim3A_3 {strides = array<i32>} : memref<1024xf32, #tpu.memory_space<vmem>>, vector<16xf32>,
    %swap3A_101 = arith.constant 784 : index
    %swap3A_102 = tpu.vector_load %arg5[%swap3A_101] {strides = array<i32>} : memref<1024xf32, #tpu.memory_space<vmem>>, vector<16xf32>,
    tpu.vector_store %arg5[%swap3A_101], %broadcast_in_dim3A_3 {strides = array<i32>} : memref<1024xf32, #tpu.memory_space<vmem>>, vector<16xf32>,
    %swap3A_103 = arith.constant 800 : index
    %swap3A_104 = tpu.vector_load %arg5[%swap3A_103] {strides = array<i32>} : memref<1024xf32, #tpu.memory_space<vmem>>, vector<16xf32>,
    tpu.vector_store %arg5[%swap3A_103], %broadcast_in_dim3A_3 {strides = array<i32>} : memref<1024xf32, #tpu.memory_space<vmem>>, vector<16xf32>,
    %swap3A_105 = arith.constant 816 : index
    %swap3A_106 = tpu.vector_load %arg5[%swap3A_105] {strides = array<i32>} : memref<1024xf32, #tpu.memory_space<vmem>>, vector<16xf32>,
    tpu.vector_store %arg5[%swap3A_105], %broadcast_in_dim3A_3 {strides = array<i32>} : memref<1024xf32, #tpu.memory_space<vmem>>, vector<16xf32>,
    %swap3A_107 = arith.constant 832 : index
    %swap3A_108 = tpu.vector_load %arg5[%swap3A_107] {strides = array<i32>} : memref<1024xf32, #tpu.memory_space<vmem>>, vector<16xf32>,
    tpu.vector_store %arg5[%swap3A_107], %broadcast_in_dim3A_3 {strides = array<i32>} : memref<1024xf32, #tpu.memory_space<vmem>>, vector<16xf32>,
    %swap3A_109 = arith.constant 848 : index
    %swap3A_110 = tpu.vector_load %arg5[%swap3A_109] {strides = array<i32>} : memref<1024xf32, #tpu.memory_space<vmem>>, vector<16xf32>,
    tpu.vector_store %arg5[%swap3A_109], %broadcast_in_dim3A_3 {strides = array<i32>} : memref<1024xf32, #tpu.memory_space<vmem>>, vector<16xf32>,
    %swap3A_111 = arith.constant 864 : index
    %swap3A_112 = tpu.vector_load %arg5[%swap3A_111] {strides = array<i32>} : memref<1024xf32, #tpu.memory_space<vmem>>, vector<16xf32>,
    tpu.vector_store %arg5[%swap3A_111], %broadcast_in_dim3A_3 {strides = array<i32>} : memref<1024xf32, #tpu.memory_space<vmem>>, vector<16xf32>,
    %swap3A_113 = arith.constant 880 : index
    %swap3A_114 = tpu.vector_load %arg5[%swap3A_113] {strides = array<i32>} : memref<1024xf32, #tpu.memory_space<vmem>>, vector<16xf32>,
    tpu.vector_store %arg5[%swap3A_113], %broadcast_in_dim3A_3 {strides = array<i32>} : memref<1024xf32, #tpu.memory_space<vmem>>, vector<16xf32>,
    %swap3A_115 = arith.constant 896 : index
    %swap3A_116 = tpu.vector_load %arg5[%swap3A_115] {strides = array<i32>} : memref<1024xf32, #tpu.memory_space<vmem>>, vector<16xf32>,
    tpu.vector_store %arg5[%swap3A_115], %broadcast_in_dim3A_3 {strides = array<i32>} : memref<1024xf32, #tpu.memory_space<vmem>>, vector<16xf32>,
    %swap3A_117 = arith.constant 912 : index
    %swap3A_118 = tpu.vector_load %arg5[%swap3A_117] {strides = array<i32>} : memref<1024xf32, #tpu.memory_space<vmem>>, vector<16xf32>,
    tpu.vector_store %arg5[%swap3A_117], %broadcast_in_dim3A_3 {strides = array<i32>} : memref<1024xf32, #tpu.memory_space<vmem>>, vector<16xf32>,
    %swap3A_119 = arith.constant 928 : index
    %swap3A_120 = tpu.vector_load %arg5[%swap3A_119] {strides = array<i32>} : memref<1024xf32, #tpu.memory_space<vmem>>, vector<16xf32>,
    tpu.vector_store %arg5[%swap3A_119], %broadcast_in_dim3A_3 {strides = array<i32>} : memref<1024xf32, #tpu.memory_space<vmem>>, vector<16xf32>,
    %swap3A_121 = arith.constant 944 : index
    %swap3A_122 = tpu.vector_load %arg5[%swap3A_121] {strides = array<i32>} : memref<1024xf32, #tpu.memory_space<vmem>>, vector<16xf32>,
    tpu.vector_store %arg5[%swap3A_121], %broadcast_in_dim3A_3 {strides = array<i32>} : memref<1024xf32, #tpu.memory_space<vmem>>, vector<16xf32>,
    %swap3A_123 = arith.constant 960 : index
    %swap3A_124 = tpu.vector_load %arg5[%swap3A_123] {strides = array<i32>} : memref<1024xf32, #tpu.memory_space<vmem>>, vector<16xf32>,
    tpu.vector_store %arg5[%swap3A_123], %broadcast_in_dim3A_3 {strides = array<i32>} : memref<1024xf32, #tpu.memory_space<vmem>>, vector<16xf32>,
    %swap3A_125 = arith.constant 976 : index
    %swap3A_126 = tpu.vector_load %arg5[%swap3A_125] {strides = array<i32>} : memref<1024xf32, #tpu.memory_space<vmem>>, vector<16xf32>,
    tpu.vector_store %arg5[%swap3A_125], %broadcast_in_dim3A_3 {strides = array<i32>} : memref<1024xf32, #tpu.memory_space<vmem>>, vector<16xf32>,
    %swap3A_127 = arith.constant 992 : index
    %swap3A_128 = tpu.vector_load %arg5[%swap3A_127] {strides = array<i32>} : memref<1024xf32, #tpu.memory_space<vmem>>, vector<16xf32>,
    tpu.vector_store %arg5[%swap3A_127], %broadcast_in_dim3A_3 {strides = array<i32>} : memref<1024xf32, #tpu.memory_space<vmem>>, vector<16xf32>,
    %swap3A_129 = arith.constant 1008 : index
    %swap3A_130 = tpu.vector_load %arg5[%swap3A_129] {strides = array<i32>} : memref<1024xf32, #tpu.memory_space<vmem>>, vector<16xf32>,
    tpu.vector_store %arg5[%swap3A_129], %broadcast_in_dim3A_3 {strides = array<i32>} : memref<1024xf32, #tpu.memory_space<vmem>>, vector<16xf32>,
    %broadcast_in_dim3A_131 = arith.constant 1.000000e+00 : f32
    %broadcast_in_dim3A_132 = vector.broadcast %broadcast_in_dim3A_131 : f32 to vector<16xf32>
    %get3A = arith.constant 0 : i32
    %get3A_133 = arith.index_cast %get3A : i32 to index
    %get3A_134 = arith.constant 0 : index
    %get3A_135 = tpu.vector_load %arg4[%get3A_133, %get3A_134] {strides = array<i32>} : memref<4x128xi32, #tpu.memory_space<vmem>>, vector<16xi32>,
    tpu.vector_store_idx %arg5[%get3A_135], %broadcast_in_dim3A_132 {add = true} : memref<1024xf32, #tpu.memory_space<vmem>>[vector<16xi32>], vector<16xf32>,
    %get3A_136 = arith.constant 0 : i32
    %get3A_137 = arith.index_cast %get3A_136 : i32 to index
    %get3A_138 = arith.constant 16 : index
    %get3A_139 = tpu.vector_load %arg4[%get3A_137, %get3A_138] {strides = array<i32>} : memref<4x128xi32, #tpu.memory_space<vmem>>, vector<16xi32>,
    tpu.vector_store_idx %arg5[%get3A_139], %broadcast_in_dim3A_132 {add = true} : memref<1024xf32, #tpu.memory_space<vmem>>[vector<16xi32>], vector<16xf32>,
    %get3A_140 = arith.constant 0 : i32
    %get3A_141 = arith.index_cast %get3A_140 : i32 to index
    %get3A_142 = arith.constant 32 : index
    %get3A_143 = tpu.vector_load %arg4[%get3A_141, %get3A_142] {strides = array<i32>} : memref<4x128xi32, #tpu.memory_space<vmem>>, vector<16xi32>,
    tpu.vector_store_idx %arg5[%get3A_143], %broadcast_in_dim3A_132 {add = true} : memref<1024xf32, #tpu.memory_space<vmem>>[vector<16xi32>], vector<16xf32>,
    %get3A_144 = arith.constant 0 : i32
    %get3A_145 = arith.index_cast %get3A_144 : i32 to index
    %get3A_146 = arith.constant 48 : index
    %get3A_147 = tpu.vector_load %arg4[%get3A_145, %get3A_146] {strides = array<i32>} : memref<4x128xi32, #tpu.memory_space<vmem>>, vector<16xi32>,
    tpu.vector_store_idx %arg5[%get3A_147], %broadcast_in_dim3A_132 {add = true} : memref<1024xf32, #tpu.memory_space<vmem>>[vector<16xi32>], vector<16xf32>,
    %get3A_148 = arith.constant 0 : i32
    %get3A_149 = arith.index_cast %get3A_148 : i32 to index
    %get3A_150 = arith.constant 64 : index
    %get3A_151 = tpu.vector_load %arg4[%get3A_149, %get3A_150] {strides = array<i32>} : memref<4x128xi32, #tpu.memory_space<vmem>>, vector<16xi32>,
    tpu.vector_store_idx %arg5[%get3A_151], %broadcast_in_dim3A_132 {add = true} : memref<1024xf32, #tpu.memory_space<vmem>>[vector<16xi32>], vector<16xf32>,
    %get3A_152 = arith.constant 0 : i32
    %get3A_153 = arith.index_cast %get3A_152 : i32 to index
    %get3A_154 = arith.constant 80 : index
    %get3A_155 = tpu.vector_load %arg4[%get3A_153, %get3A_154] {strides = array<i32>} : memref<4x128xi32, #tpu.memory_space<vmem>>, vector<16xi32>,
    tpu.vector_store_idx %arg5[%get3A_155], %broadcast_in_dim3A_132 {add = true} : memref<1024xf32, #tpu.memory_space<vmem>>[vector<16xi32>], vector<16xf32>,
    %get3A_156 = arith.constant 0 : i32
    %get3A_157 = arith.index_cast %get3A_156 : i32 to index
    %get3A_158 = arith.constant 96 : index
    %get3A_159 = tpu.vector_load %arg4[%get3A_157, %get3A_158] {strides = array<i32>} : memref<4x128xi32, #tpu.memory_space<vmem>>, vector<16xi32>,
    tpu.vector_store_idx %arg5[%get3A_159], %broadcast_in_dim3A_132 {add = true} : memref<1024xf32, #tpu.memory_space<vmem>>[vector<16xi32>], vector<16xf32>,
    %get3A_160 = arith.constant 0 : i32
    %get3A_161 = arith.index_cast %get3A_160 : i32 to index
    %get3A_162 = arith.constant 112 : index
    %get3A_163 = tpu.vector_load %arg4[%get3A_161, %get3A_162] {strides = array<i32>} : memref<4x128xi32, #tpu.memory_space<vmem>>, vector<16xi32>,
    tpu.vector_store_idx %arg5[%get3A_163], %broadcast_in_dim3A_132 {add = true} : memref<1024xf32, #tpu.memory_space<vmem>>[vector<16xi32>], vector<16xf32>,
    %get3A_164 = arith.constant 1 : i32
    %get3A_165 = arith.index_cast %get3A_164 : i32 to index
    %get3A_166 = arith.constant 0 : index
    %get3A_167 = tpu.vector_load %arg4[%get3A_165, %get3A_166] {strides = array<i32>} : memref<4x128xi32, #tpu.memory_space<vmem>>, vector<16xi32>,
    tpu.vector_store_idx %arg5[%get3A_167], %broadcast_in_dim3A_132 {add = true} : memref<1024xf32, #tpu.memory_space<vmem>>[vector<16xi32>], vector<16xf32>,
    %get3A_168 = arith.constant 1 : i32
    %get3A_169 = arith.index_cast %get3A_168 : i32 to index
    %get3A_170 = arith.constant 16 : index
    %get3A_171 = tpu.vector_load %arg4[%get3A_169, %get3A_170] {strides = array<i32>} : memref<4x128xi32, #tpu.memory_space<vmem>>, vector<16xi32>,
    tpu.vector_store_idx %arg5[%get3A_171], %broadcast_in_dim3A_132 {add = true} : memref<1024xf32, #tpu.memory_space<vmem>>[vector<16xi32>], vector<16xf32>,
    %get3A_172 = arith.constant 1 : i32
    %get3A_173 = arith.index_cast %get3A_172 : i32 to index
    %get3A_174 = arith.constant 32 : index
    %get3A_175 = tpu.vector_load %arg4[%get3A_173, %get3A_174] {strides = array<i32>} : memref<4x128xi32, #tpu.memory_space<vmem>>, vector<16xi32>,
    tpu.vector_store_idx %arg5[%get3A_175], %broadcast_in_dim3A_132 {add = true} : memref<1024xf32, #tpu.memory_space<vmem>>[vector<16xi32>], vector<16xf32>,
    %get3A_176 = arith.constant 1 : i32
    %get3A_177 = arith.index_cast %get3A_176 : i32 to index
    %get3A_178 = arith.constant 48 : index
    %get3A_179 = tpu.vector_load %arg4[%get3A_177, %get3A_178] {strides = array<i32>} : memref<4x128xi32, #tpu.memory_space<vmem>>, vector<16xi32>,
    tpu.vector_store_idx %arg5[%get3A_179], %broadcast_in_dim3A_132 {add = true} : memref<1024xf32, #tpu.memory_space<vmem>>[vector<16xi32>], vector<16xf32>,
    %get3A_180 = arith.constant 1 : i32
    %get3A_181 = arith.index_cast %get3A_180 : i32 to index
    %get3A_182 = arith.constant 64 : index
    %get3A_183 = tpu.vector_load %arg4[%get3A_181, %get3A_182] {strides = array<i32>} : memref<4x128xi32, #tpu.memory_space<vmem>>, vector<16xi32>,
    tpu.vector_store_idx %arg5[%get3A_183], %broadcast_in_dim3A_132 {add = true} : memref<1024xf32, #tpu.memory_space<vmem>>[vector<16xi32>], vector<16xf32>,
    %get3A_184 = arith.constant 1 : i32
    %get3A_185 = arith.index_cast %get3A_184 : i32 to index
    %get3A_186 = arith.constant 80 : index
    %get3A_187 = tpu.vector_load %arg4[%get3A_185, %get3A_186] {strides = array<i32>} : memref<4x128xi32, #tpu.memory_space<vmem>>, vector<16xi32>,
    tpu.vector_store_idx %arg5[%get3A_187], %broadcast_in_dim3A_132 {add = true} : memref<1024xf32, #tpu.memory_space<vmem>>[vector<16xi32>], vector<16xf32>,
    %get3A_188 = arith.constant 1 : i32
    %get3A_189 = arith.index_cast %get3A_188 : i32 to index
    %get3A_190 = arith.constant 96 : index
    %get3A_191 = tpu.vector_load %arg4[%get3A_189, %get3A_190] {strides = array<i32>} : memref<4x128xi32, #tpu.memory_space<vmem>>, vector<16xi32>,
    tpu.vector_store_idx %arg5[%get3A_191], %broadcast_in_dim3A_132 {add = true} : memref<1024xf32, #tpu.memory_space<vmem>>[vector<16xi32>], vector<16xf32>,
    %get3A_192 = arith.constant 1 : i32
    %get3A_193 = arith.index_cast %get3A_192 : i32 to index
    %get3A_194 = arith.constant 112 : index
    %get3A_195 = tpu.vector_load %arg4[%get3A_193, %get3A_194] {strides = array<i32>} : memref<4x128xi32, #tpu.memory_space<vmem>>, vector<16xi32>,
    tpu.vector_store_idx %arg5[%get3A_195], %broadcast_in_dim3A_132 {add = true} : memref<1024xf32, #tpu.memory_space<vmem>>[vector<16xi32>], vector<16xf32>,
    %get3A_196 = arith.constant 2 : i32
    %get3A_197 = arith.index_cast %get3A_196 : i32 to index
    %get3A_198 = arith.constant 0 : index
    %get3A_199 = tpu.vector_load %arg4[%get3A_197, %get3A_198] {strides = array<i32>} : memref<4x128xi32, #tpu.memory_space<vmem>>, vector<16xi32>,
    tpu.vector_store_idx %arg5[%get3A_199], %broadcast_in_dim3A_132 {add = true} : memref<1024xf32, #tpu.memory_space<vmem>>[vector<16xi32>], vector<16xf32>,
    %get3A_200 = arith.constant 2 : i32
    %get3A_201 = arith.index_cast %get3A_200 : i32 to index
    %get3A_202 = arith.constant 16 : index
    %get3A_203 = tpu.vector_load %arg4[%get3A_201, %get3A_202] {strides = array<i32>} : memref<4x128xi32, #tpu.memory_space<vmem>>, vector<16xi32>,
    tpu.vector_store_idx %arg5[%get3A_203], %broadcast_in_dim3A_132 {add = true} : memref<1024xf32, #tpu.memory_space<vmem>>[vector<16xi32>], vector<16xf32>,
    %get3A_204 = arith.constant 2 : i32
    %get3A_205 = arith.index_cast %get3A_204 : i32 to index
    %get3A_206 = arith.constant 32 : index
    %get3A_207 = tpu.vector_load %arg4[%get3A_205, %get3A_206] {strides = array<i32>} : memref<4x128xi32, #tpu.memory_space<vmem>>, vector<16xi32>,
    tpu.vector_store_idx %arg5[%get3A_207], %broadcast_in_dim3A_132 {add = true} : memref<1024xf32, #tpu.memory_space<vmem>>[vector<16xi32>], vector<16xf32>,
    %get3A_208 = arith.constant 2 : i32
    %get3A_209 = arith.index_cast %get3A_208 : i32 to index
    %get3A_210 = arith.constant 48 : index
    %get3A_211 = tpu.vector_load %arg4[%get3A_209, %get3A_210] {strides = array<i32>} : memref<4x128xi32, #tpu.memory_space<vmem>>, vector<16xi32>,
    tpu.vector_store_idx %arg5[%get3A_211], %broadcast_in_dim3A_132 {add = true} : memref<1024xf32, #tpu.memory_space<vmem>>[vector<16xi32>], vector<16xf32>,
    %get3A_212 = arith.constant 2 : i32
    %get3A_213 = arith.index_cast %get3A_212 : i32 to index
    %get3A_214 = arith.constant 64 : index
    %get3A_215 = tpu.vector_load %arg4[%get3A_213, %get3A_214] {strides = array<i32>} : memref<4x128xi32, #tpu.memory_space<vmem>>, vector<16xi32>,
    tpu.vector_store_idx %arg5[%get3A_215], %broadcast_in_dim3A_132 {add = true} : memref<1024xf32, #tpu.memory_space<vmem>>[vector<16xi32>], vector<16xf32>,
    %get3A_216 = arith.constant 2 : i32
    %get3A_217 = arith.index_cast %get3A_216 : i32 to index
    %get3A_218 = arith.constant 80 : index
    %get3A_219 = tpu.vector_load %arg4[%get3A_217, %get3A_218] {strides = array<i32>} : memref<4x128xi32, #tpu.memory_space<vmem>>, vector<16xi32>,
    tpu.vector_store_idx %arg5[%get3A_219], %broadcast_in_dim3A_132 {add = true} : memref<1024xf32, #tpu.memory_space<vmem>>[vector<16xi32>], vector<16xf32>,
    %get3A_220 = arith.constant 2 : i32
    %get3A_221 = arith.index_cast %get3A_220 : i32 to index
    %get3A_222 = arith.constant 96 : index
    %get3A_223 = tpu.vector_load %arg4[%get3A_221, %get3A_222] {strides = array<i32>} : memref<4x128xi32, #tpu.memory_space<vmem>>, vector<16xi32>,
    tpu.vector_store_idx %arg5[%get3A_223], %broadcast_in_dim3A_132 {add = true} : memref<1024xf32, #tpu.memory_space<vmem>>[vector<16xi32>], vector<16xf32>,
    %get3A_224 = arith.constant 2 : i32
    %get3A_225 = arith.index_cast %get3A_224 : i32 to index
    %get3A_226 = arith.constant 112 : index
    %get3A_227 = tpu.vector_load %arg4[%get3A_225, %get3A_226] {strides = array<i32>} : memref<4x128xi32, #tpu.memory_space<vmem>>, vector<16xi32>,
    tpu.vector_store_idx %arg5[%get3A_227], %broadcast_in_dim3A_132 {add = true} : memref<1024xf32, #tpu.memory_space<vmem>>[vector<16xi32>], vector<16xf32>,
    %get3A_228 = arith.constant 3 : i32
    %get3A_229 = arith.index_cast %get3A_228 : i32 to index
    %get3A_230 = arith.constant 0 : index
    %get3A_231 = tpu.vector_load %arg4[%get3A_229, %get3A_230] {strides = array<i32>} : memref<4x128xi32, #tpu.memory_space<vmem>>, vector<16xi32>,
    tpu.vector_store_idx %arg5[%get3A_231], %broadcast_in_dim3A_132 {add = true} : memref<1024xf32, #tpu.memory_space<vmem>>[vector<16xi32>], vector<16xf32>,
    %get3A_232 = arith.constant 3 : i32
    %get3A_233 = arith.index_cast %get3A_232 : i32 to index
    %get3A_234 = arith.constant 16 : index
    %get3A_235 = tpu.vector_load %arg4[%get3A_233, %get3A_234] {strides = array<i32>} : memref<4x128xi32, #tpu.memory_space<vmem>>, vector<16xi32>,
    tpu.vector_store_idx %arg5[%get3A_235], %broadcast_in_dim3A_132 {add = true} : memref<1024xf32, #tpu.memory_space<vmem>>[vector<16xi32>], vector<16xf32>,
    %get3A_236 = arith.constant 3 : i32
    %get3A_237 = arith.index_cast %get3A_236 : i32 to index
    %get3A_238 = arith.constant 32 : index
    %get3A_239 = tpu.vector_load %arg4[%get3A_237, %get3A_238] {strides = array<i32>} : memref<4x128xi32, #tpu.memory_space<vmem>>, vector<16xi32>,
    tpu.vector_store_idx %arg5[%get3A_239], %broadcast_in_dim3A_132 {add = true} : memref<1024xf32, #tpu.memory_space<vmem>>[vector<16xi32>], vector<16xf32>,
    %get3A_240 = arith.constant 3 : i32
    %get3A_241 = arith.index_cast %get3A_240 : i32 to index
    %get3A_242 = arith.constant 48 : index
    %get3A_243 = tpu.vector_load %arg4[%get3A_241, %get3A_242] {strides = array<i32>} : memref<4x128xi32, #tpu.memory_space<vmem>>, vector<16xi32>,
    tpu.vector_store_idx %arg5[%get3A_243], %broadcast_in_dim3A_132 {add = true} : memref<1024xf32, #tpu.memory_space<vmem>>[vector<16xi32>], vector<16xf32>,
    %get3A_244 = arith.constant 3 : i32
    %get3A_245 = arith.index_cast %get3A_244 : i32 to index
    %get3A_246 = arith.constant 64 : index
    %get3A_247 = tpu.vector_load %arg4[%get3A_245, %get3A_246] {strides = array<i32>} : memref<4x128xi32, #tpu.memory_space<vmem>>, vector<16xi32>,
    tpu.vector_store_idx %arg5[%get3A_247], %broadcast_in_dim3A_132 {add = true} : memref<1024xf32, #tpu.memory_space<vmem>>[vector<16xi32>], vector<16xf32>,
    %get3A_248 = arith.constant 3 : i32
    %get3A_249 = arith.index_cast %get3A_248 : i32 to index
    %get3A_250 = arith.constant 80 : index
    %get3A_251 = tpu.vector_load %arg4[%get3A_249, %get3A_250] {strides = array<i32>} : memref<4x128xi32, #tpu.memory_space<vmem>>, vector<16xi32>,
    tpu.vector_store_idx %arg5[%get3A_251], %broadcast_in_dim3A_132 {add = true} : memref<1024xf32, #tpu.memory_space<vmem>>[vector<16xi32>], vector<16xf32>,
    %get3A_252 = arith.constant 3 : i32
    %get3A_253 = arith.index_cast %get3A_252 : i32 to index
    %get3A_254 = arith.constant 96 : index
    %get3A_255 = tpu.vector_load %arg4[%get3A_253, %get3A_254] {strides = array<i32>} : memref<4x128xi32, #tpu.memory_space<vmem>>, vector<16xi32>,
    tpu.vector_store_idx %arg5[%get3A_255], %broadcast_in_dim3A_132 {add = true} : memref<1024xf32, #tpu.memory_space<vmem>>[vector<16xi32>], vector<16xf32>,
    %get3A_256 = arith.constant 3 : i32
    %get3A_257 = arith.index_cast %get3A_256 : i32 to index
    %get3A_258 = arith.constant 112 : index
    %get3A_259 = tpu.vector_load %arg4[%get3A_257, %get3A_258] {strides = array<i32>} : memref<4x128xi32, #tpu.memory_space<vmem>>, vector<16xi32>,
    tpu.vector_store_idx %arg5[%get3A_259], %broadcast_in_dim3A_132 {add = true} : memref<1024xf32, #tpu.memory_space<vmem>>[vector<16xi32>], vector<16xf32>,
    "tpu.region"() ({
      %run_scoped3A = tpu.sem_alloc : memref<!tpu.dma_semaphore, #tpu.memory_space<semaphore_mem>>
      %dma_start3A = arith.constant 0 : i32
      %dma_start3A_260 = tpu.memref_slice %arg3[%add3A, %dma_start3A] : memref<32x1024xf32, #tpu.memory_space<hbm>> -> memref<1x1024xf32, #tpu.memory_space<hbm>>
      %dma_start3A_261 = tpu.memref_squeeze %dma_start3A_260 : memref<1x1024xf32, #tpu.memory_space<hbm>> -> memref<1024xf32, #tpu.memory_space<hbm>>
      %dma_start3A_262 = arith.constant 0 : i32
      %dma_start3A_263 = tpu.memref_slice %arg3[%add3A, %dma_start3A_262] : memref<32x1024xf32, #tpu.memory_space<hbm>> -> memref<1x1024xf32, #tpu.memory_space<hbm>>
      %dma_start3A_264 = tpu.memref_squeeze %dma_start3A_263 : memref<1x1024xf32, #tpu.memory_space<hbm>> -> memref<1024xf32, #tpu.memory_space<hbm>>
      tpu.enqueue_dma source(%arg5 : memref<1024xf32, #tpu.memory_space<vmem>>) target(%dma_start3A_264 : memref<1024xf32, #tpu.memory_space<hbm>>) target_semaphore(%run_scoped3A : memref<!tpu.dma_semaphore, #tpu.memory_space<semaphore_mem>>)
      %dma_wait3A = arith.constant 0 : i32
      %dma_wait3A_265 = tpu.memref_slice %arg3[%add3A, %dma_wait3A] : memref<32x1024xf32, #tpu.memory_space<hbm>> -> memref<1x1024xf32, #tpu.memory_space<hbm>>
      %dma_wait3A_266 = tpu.memref_squeeze %dma_wait3A_265 : memref<1x1024xf32, #tpu.memory_space<hbm>> -> memref<1024xf32, #tpu.memory_space<hbm>>
      %dma_wait3A_267 = arith.constant 0 : i32
      %dma_wait3A_268 = tpu.memref_slice %arg3[%add3A, %dma_wait3A_267] : memref<32x1024xf32, #tpu.memory_space<hbm>> -> memref<1x1024xf32, #tpu.memory_space<hbm>>
      %dma_wait3A_269 = tpu.memref_squeeze %dma_wait3A_268 : memref<1x1024xf32, #tpu.memory_space<hbm>> -> memref<1024xf32, #tpu.memory_space<hbm>>
      tpu.wait_dma2 semaphore(%run_scoped3A : memref<!tpu.dma_semaphore, #tpu.memory_space<semaphore_mem>>) src(%arg5 : memref<1024xf32, #tpu.memory_space<vmem>>) dst(%dma_wait3A_269 : memref<1024xf32, #tpu.memory_space<hbm>>)
      tpu.yield
    }) : () -> ()
    return
  }
}

module attributes {stable_mosaic.version = 14 : i64} {
  func.func @_dist_kernel(%arg0: i32, %arg1: memref<1x64x1024xf32, #tpu.memory_space<vmem>>, %arg2: memref<1024x64xf32, #tpu.memory_space<vmem>>, %arg3: memref<1x64x1024xf32, #tpu.memory_space<vmem>>, %arg4: memref<1x1x1024xi32, #tpu.memory_space<vmem>>, %arg5: memref<1x1xf32, #tpu.memory_space<vmem>>, %arg6: memref<1024x1xf32, #tpu.memory_space<vmem>>, %arg7: memref<1024x64xf32, #tpu.memory_space<vmem>>) attributes {dimension_semantics = [#tpu.dimension_semantics<arbitrary>], iteration_bounds = array<i64: 16>, scalar_prefetch = 0 : i64, scratch_operands = 2 : i64, tpu.core_type = #tpu.core_type<tc>, window_params = [{transform_indices = @transform_0, window_bounds = array<i64: 1, 64, 1024>}, {pipeline_mode = #tpu.pipeline_mode<synchronous>, transform_indices = @transform_1, window_bounds = array<i64: 1024, 64>}, {transform_indices = @transform_2, window_bounds = array<i64: 1, 64, 1024>}, {transform_indices = @transform_3, window_bounds = array<i64: 1, 1, 1024>}, {pipeline_mode = #tpu.pipeline_mode<synchronous>, transform_indices = @transform_4, window_bounds = array<i64: 1, 1>}]} {
    %get3A = arith.constant 0 : index
    %get3A_0 = arith.constant 0 : index
    %get3A_1 = arith.constant 0 : index
    %get3A_2 = vector.load %arg1[%get3A, %get3A_0, %get3A_1] : memref<1x64x1024xf32, #tpu.memory_space<vmem>>, vector<1x64x1024xf32>
    %get3A_3 = vector.shape_cast %get3A_2 : vector<1x64x1024xf32> to vector<64x1024xf32>
    %get3A_4 = arith.constant 0 : index
    %get3A_5 = arith.constant 0 : index
    %get3A_6 = vector.load %arg2[%get3A_4, %get3A_5] : memref<1024x64xf32, #tpu.memory_space<vmem>>, vector<1024x64xf32>
    %eq3A = arith.constant 0 : i32
    %eq3A_7 = arith.cmpi eq, %arg0, %eq3A : i32
    %convert_element_type3A = arith.extui %eq3A_7 : i1 to i32
    %cond3A = arith.constant 0 : i32
    %cond3A_8 = arith.cmpi ne, %convert_element_type3A, %cond3A : i32
    scf.if %cond3A_8 {
      %mul3A_65 = arith.mulf %get3A_6, %get3A_6 : vector<1024x64xf32>
      %reduce_sum3A_66 = arith.constant dense<0.000000e+00> : vector<1024xf32>
      %reduce_sum3A_67 = vector.multi_reduction <add>, %mul3A_65, %reduce_sum3A_66 [1] : vector<1024x64xf32> to vector<1024xf32>
      %broadcast_in_dim3A_68 = vector.shape_cast %reduce_sum3A_67 : vector<1024xf32> to vector<1024x1xf32>
      %swap3A_69 = arith.constant 0 : index
      %swap3A_70 = arith.constant 0 : index
      %swap3A_71 = vector.load %arg6[%swap3A_69, %swap3A_70] : memref<1024x1xf32, #tpu.memory_space<vmem>>, vector<1024x1xf32>
      tpu.vector_store %arg6[%swap3A_69, %swap3A_70], %broadcast_in_dim3A_68 {strides = array<i32>} : memref<1024x1xf32, #tpu.memory_space<vmem>>, vector<1024x1xf32>,
      %mul3A_72 = arith.constant -2.000000e+00 : f32
      %mul3A_73 = vector.broadcast %mul3A_72 : f32 to vector<1024x64xf32>
      %mul3A_74 = arith.mulf %mul3A_73, %get3A_6 : vector<1024x64xf32>
      %swap3A_75 = arith.constant 0 : index
      %swap3A_76 = arith.constant 0 : index
      %swap3A_77 = vector.load %arg7[%swap3A_75, %swap3A_76] : memref<1024x64xf32, #tpu.memory_space<vmem>>, vector<1024x64xf32>
      tpu.vector_store %arg7[%swap3A_75, %swap3A_76], %mul3A_74 {strides = array<i32>} : memref<1024x64xf32, #tpu.memory_space<vmem>>, vector<1024x64xf32>,
    } else {
    }
    %mul3A = arith.mulf %get3A_3, %get3A_3 : vector<64x1024xf32>
    %reduce_sum3A = arith.constant dense<0.000000e+00> : vector<1024xf32>
    %reduce_sum3A_9 = vector.multi_reduction <add>, %mul3A, %reduce_sum3A [0] : vector<64x1024xf32> to vector<1024xf32>
    %broadcast_in_dim3A = vector.shape_cast %reduce_sum3A_9 : vector<1024xf32> to vector<1x1024xf32>
    %get3A_10 = arith.constant 0 : index
    %get3A_11 = arith.constant 0 : index
    %get3A_12 = vector.load %arg7[%get3A_10, %get3A_11] : memref<1024x64xf32, #tpu.memory_space<vmem>>, vector<1024x64xf32>
    %dot_general3A = arith.constant dense<0.000000e+00> : vector<1024x1024xf32>
    %dot_general3A_13 = tpu.matmul %get3A_12, %get3A_3, %dot_general3A {dimension_numbers = #tpu.dot_dimension_numbers<[1], [0], [0], [1], [0, 0, 1, 1], [], []>, transpose_lhs_hint = false} : vector<1024x64xf32>, vector<64x1024xf32>, vector<1024x1024xf32> -> vector<1024x1024xf32>
    %get3A_14 = arith.constant 0 : index
    %get3A_15 = arith.constant 0 : index
    %get3A_16 = vector.load %arg6[%get3A_14, %get3A_15] : memref<1024x1xf32, #tpu.memory_space<vmem>>, vector<1024x1xf32>
    %add3A = vector.broadcast %broadcast_in_dim3A : vector<1x1024xf32> to vector<1024x1024xf32>
    %add3A_17 = vector.broadcast %get3A_16 : vector<1024x1xf32> to vector<1024x1024xf32>
    %add3A_18 = arith.addf %add3A, %add3A_17 : vector<1024x1024xf32>
    %add3A_19 = arith.addf %add3A_18, %dot_general3A_13 : vector<1024x1024xf32>
    %reduce_min3A = arith.constant dense<0x7F800000> : vector<1024xf32>
    %reduce_min3A_20 = vector.multi_reduction <minimumf>, %add3A_19, %reduce_min3A [0] : vector<1024x1024xf32> to vector<1024xf32>
    %broadcast_in_dim3A_21 = vector.shape_cast %reduce_min3A_20 : vector<1024xf32> to vector<1x1024xf32>
    %iota3A = tpu.iota {dimensions = array<i32: 0>} : vector<1024x1xi32>
    %convert_element_type3A_22 = arith.sitofp %iota3A : vector<1024x1xi32> to vector<1024x1xf32>
    %eq3A_23 = vector.broadcast %broadcast_in_dim3A_21 : vector<1x1024xf32> to vector<1024x1024xf32>
    %eq3A_24 = arith.cmpf oeq, %add3A_19, %eq3A_23 : vector<1024x1024xf32>
    %jit3A = arith.constant 1.024000e+03 : f32
    %broadcast_in_dim3A_25 = vector.shape_cast %convert_element_type3A_22 : vector<1024x1xf32> to vector<1024x1xf32>
    %broadcast_in_dim3A_26 = vector.broadcast %broadcast_in_dim3A_25 : vector<1024x1xf32> to vector<1024x1024xf32>
    %broadcast_in_dim3A_27 = vector.broadcast %jit3A : f32 to vector<1024x1024xf32>
    %select_n3A = arith.select %eq3A_24, %broadcast_in_dim3A_26, %broadcast_in_dim3A_27 : vector<1024x1024xi1>, vector<1024x1024xf32>
    %reduce_min3A_28 = arith.constant dense<0x7F800000> : vector<1024xf32>
    %reduce_min3A_29 = vector.multi_reduction <minimumf>, %select_n3A, %reduce_min3A_28 [0] : vector<1024x1024xf32> to vector<1024xf32>
    %broadcast_in_dim3A_30 = vector.shape_cast %reduce_min3A_29 : vector<1024xf32> to vector<1x1024xf32>
    %convert_element_type3A_31 = arith.fptosi %broadcast_in_dim3A_30 : vector<1x1024xf32> to vector<1x1024xi32>
    %swap3A = arith.constant 0 : index
    %swap3A_32 = arith.constant 0 : index
    %swap3A_33 = arith.constant 0 : index
    %swap3A_34 = vector.load %arg4[%swap3A, %swap3A_32, %swap3A_33] : memref<1x1x1024xi32, #tpu.memory_space<vmem>>, vector<1x1x1024xi32>
    %swap3A_35 = vector.shape_cast %swap3A_34 : vector<1x1x1024xi32> to vector<1x1024xi32>
    %swap3A_36 = vector.shape_cast %convert_element_type3A_31 : vector<1x1024xi32> to vector<1x1x1024xi32>
    tpu.vector_store %arg4[%swap3A, %swap3A_32, %swap3A_33], %swap3A_36 {strides = array<i32>} : memref<1x1x1024xi32, #tpu.memory_space<vmem>>, vector<1x1x1024xi32>,
    %eq3A_37 = vector.broadcast %convert_element_type3A_22 : vector<1024x1xf32> to vector<1024x1024xf32>
    %eq3A_38 = vector.broadcast %broadcast_in_dim3A_30 : vector<1x1024xf32> to vector<1024x1024xf32>
    %eq3A_39 = arith.cmpf oeq, %eq3A_37, %eq3A_38 : vector<1024x1024xf32>
    %convert_element_type3A_40 = arith.extui %eq3A_39 : vector<1024x1024xi1> to vector<1024x1024xi32>
    %convert_element_type3A_41 = arith.sitofp %convert_element_type3A_40 : vector<1024x1024xi32> to vector<1024x1024xf32>
    %dot_general3A_42 = arith.constant dense<0.000000e+00> : vector<64x1024xf32>
    %dot_general3A_43 = tpu.matmul %get3A_6, %convert_element_type3A_41, %dot_general3A_42 {dimension_numbers = #tpu.dot_dimension_numbers<[0], [0], [1], [1], [0, 1, 1, 1], [], []>, transpose_lhs_hint = false} : vector<1024x64xf32>, vector<1024x1024xf32>, vector<64x1024xf32> -> vector<64x1024xf32>
    %swap3A_44 = arith.constant 0 : index
    %swap3A_45 = arith.constant 0 : index
    %swap3A_46 = arith.constant 0 : index
    %swap3A_47 = vector.load %arg3[%swap3A_44, %swap3A_45, %swap3A_46] : memref<1x64x1024xf32, #tpu.memory_space<vmem>>, vector<1x64x1024xf32>
    %swap3A_48 = vector.shape_cast %swap3A_47 : vector<1x64x1024xf32> to vector<64x1024xf32>
    %swap3A_49 = vector.shape_cast %dot_general3A_43 : vector<64x1024xf32> to vector<1x64x1024xf32>
    tpu.vector_store %arg3[%swap3A_44, %swap3A_45, %swap3A_46], %swap3A_49 {strides = array<i32>} : memref<1x64x1024xf32, #tpu.memory_space<vmem>>, vector<1x64x1024xf32>,
    %reduce_sum3A_50 = vector.shape_cast %broadcast_in_dim3A_21 : vector<1x1024xf32> to vector<1x1x1024xf32>
    %reduce_sum3A_51 = arith.constant dense<0.000000e+00> : vector<1xf32>
    %reduce_sum3A_52 = vector.multi_reduction <add>, %reduce_sum3A_50, %reduce_sum3A_51 [1, 2] : vector<1x1x1024xf32> to vector<1xf32>
    %reduce_sum3A_53 = vector.shape_cast %reduce_sum3A_52 : vector<1xf32> to vector<1x1x1xf32>
    %reduce_sum3A_54 = vector.extract %reduce_sum3A_53[0, 0, 0] : f32 from vector<1x1x1xf32>
    %broadcast_in_dim3A_55 = vector.broadcast %reduce_sum3A_54 : f32 to vector<1x1xf32>
    %eq3A_56 = arith.constant 0 : i32
    %eq3A_57 = arith.cmpi eq, %arg0, %eq3A_56 : i32
    %convert_element_type3A_58 = arith.extui %eq3A_57 : i1 to i32
    %cond3A_59 = arith.constant 0 : i32
    %cond3A_60 = arith.cmpi ne, %convert_element_type3A_58, %cond3A_59 : i32
    scf.if %cond3A_60 {
      %swap3A_65 = arith.constant 0 : index
      %swap3A_66 = arith.constant 0 : index
      %swap3A_67 = vector.load %arg5[%swap3A_65, %swap3A_66] : memref<1x1xf32, #tpu.memory_space<vmem>>, vector<1x1xf32>
      tpu.vector_store %arg5[%swap3A_65, %swap3A_66], %broadcast_in_dim3A_55 {strides = array<i32>} : memref<1x1xf32, #tpu.memory_space<vmem>>, vector<1x1xf32>,
    } else {
    }
    %ne3A = arith.constant 0 : i32
    %ne3A_61 = arith.cmpi ne, %arg0, %ne3A : i32
    %convert_element_type3A_62 = arith.extui %ne3A_61 : i1 to i32
    %cond3A_63 = arith.constant 0 : i32
    %cond3A_64 = arith.cmpi ne, %convert_element_type3A_62, %cond3A_63 : i32
    scf.if %cond3A_64 {
      %get3A_65 = arith.constant 0 : index
      %get3A_66 = arith.constant 0 : index
      %get3A_67 = vector.load %arg5[%get3A_65, %get3A_66] : memref<1x1xf32, #tpu.memory_space<vmem>>, vector<1x1xf32>
      %add3A_68 = arith.addf %get3A_67, %broadcast_in_dim3A_55 : vector<1x1xf32>
      %swap3A_69 = arith.constant 0 : index
      %swap3A_70 = arith.constant 0 : index
      %swap3A_71 = vector.load %arg5[%swap3A_69, %swap3A_70] : memref<1x1xf32, #tpu.memory_space<vmem>>, vector<1x1xf32>
      tpu.vector_store %arg5[%swap3A_69, %swap3A_70], %add3A_68 {strides = array<i32>} : memref<1x1xf32, #tpu.memory_space<vmem>>, vector<1x1xf32>,
    } else {
    }
    return
  }
  func.func @transform_0(%arg0: i32) -> (i32, i32, i32) {
    %c0_i32 = arith.constant 0 : i32
    %c0_i32_0 = arith.constant 0 : i32
    %c0_i32_1 = arith.constant 0 : i32
    return %arg0, %c0_i32, %c0_i32_0 : i32, i32, i32
  }
  func.func @transform_1(%arg0: i32) -> (i32, i32) {
    %c0_i32 = arith.constant 0 : i32
    %c0_i32_0 = arith.constant 0 : i32
    %c0_i32_1 = arith.constant 0 : i32
    return %c0_i32, %c0_i32_0 : i32, i32
  }
  func.func @transform_2(%arg0: i32) -> (i32, i32, i32) {
    %c0_i32 = arith.constant 0 : i32
    %c0_i32_0 = arith.constant 0 : i32
    %c0_i32_1 = arith.constant 0 : i32
    return %arg0, %c0_i32, %c0_i32_0 : i32, i32, i32
  }
  func.func @transform_3(%arg0: i32) -> (i32, i32, i32) {
    %c0_i32 = arith.constant 0 : i32
    %c0_i32_0 = arith.constant 0 : i32
    %c0_i32_1 = arith.constant 0 : i32
    return %arg0, %c0_i32, %c0_i32_0 : i32, i32, i32
  }
  func.func @transform_4(%arg0: i32) -> (i32, i32) {
    %c0_i32 = arith.constant 0 : i32
    %c0_i32_0 = arith.constant 0 : i32
    %c0_i32_1 = arith.constant 0 : i32
    return %c0_i32, %c0_i32_0 : i32, i32
  }
}

module attributes {stable_mosaic.version = 14 : i64} {
  func.func @_finalize_kernel(%arg0: memref<32x1024xf32, #tpu.memory_space<vmem>>, %arg1: memref<1x1xf32, #tpu.memory_space<vmem>>, %arg2: memref<1x1xf32, #tpu.memory_space<vmem>>, %arg3: memref<1x1xf32, #tpu.memory_space<vmem>>, %arg4: memref<1x1xf32, #tpu.memory_space<vmem>>, %arg5: memref<1x1xf32, #tpu.memory_space<vmem>>) attributes {dimension_semantics = [], scalar_prefetch = 0 : i64, scratch_operands = 0 : i64, tpu.core_type = #tpu.core_type<tc>} {
    %get3A = arith.constant 0 : index
    %get3A_0 = arith.constant 0 : index
    %get3A_1 = vector.load %arg0[%get3A, %get3A_0] : memref<32x1024xf32, #tpu.memory_space<vmem>>, vector<32x1024xf32>
    %reduce_sum3A = arith.constant dense<0.000000e+00> : vector<1024xf32>
    %reduce_sum3A_2 = vector.multi_reduction <add>, %get3A_1, %reduce_sum3A [0] : vector<32x1024xf32> to vector<1024xf32>
    %broadcast_in_dim3A = vector.shape_cast %reduce_sum3A_2 : vector<1024xf32> to vector<1x1024xf32>
    %reduce_sum3A_3 = vector.shape_cast %broadcast_in_dim3A : vector<1x1024xf32> to vector<1x1x1024xf32>
    %reduce_sum3A_4 = arith.constant dense<0.000000e+00> : vector<1xf32>
    %reduce_sum3A_5 = vector.multi_reduction <add>, %reduce_sum3A_3, %reduce_sum3A_4 [1, 2] : vector<1x1x1024xf32> to vector<1xf32>
    %reduce_sum3A_6 = vector.shape_cast %reduce_sum3A_5 : vector<1xf32> to vector<1x1x1xf32>
    %reduce_sum3A_7 = vector.extract %reduce_sum3A_6[0, 0, 0] : f32 from vector<1x1x1xf32>
    %div3A = vector.broadcast %reduce_sum3A_7 : f32 to vector<1x1024xf32>
    %div3A_8 = arith.divf %broadcast_in_dim3A, %div3A : vector<1x1024xf32>
    %add3A = arith.constant 1.000000e-10 : f32
    %add3A_9 = vector.broadcast %add3A : f32 to vector<1x1024xf32>
    %add3A_10 = arith.addf %div3A_8, %add3A_9 : vector<1x1024xf32>
    %log3A = math.log %add3A_10 : vector<1x1024xf32>
    %log3A_11 = arith.constant 2.000000e+00 : f32
    %log3A_12 = math.log %log3A_11 : f32
    %div3A_13 = vector.broadcast %log3A_12 : f32 to vector<1x1024xf32>
    %div3A_14 = arith.divf %log3A, %div3A_13 : vector<1x1024xf32>
    %mul3A = arith.mulf %div3A_8, %div3A_14 : vector<1x1024xf32>
    %reduce_sum3A_15 = vector.shape_cast %mul3A : vector<1x1024xf32> to vector<1x1x1024xf32>
    %reduce_sum3A_16 = arith.constant dense<0.000000e+00> : vector<1xf32>
    %reduce_sum3A_17 = vector.multi_reduction <add>, %reduce_sum3A_15, %reduce_sum3A_16 [1, 2] : vector<1x1x1024xf32> to vector<1xf32>
    %reduce_sum3A_18 = vector.shape_cast %reduce_sum3A_17 : vector<1xf32> to vector<1x1x1xf32>
    %reduce_sum3A_19 = vector.extract %reduce_sum3A_18[0, 0, 0] : f32 from vector<1x1x1xf32>
    %broadcast_in_dim3A_20 = vector.broadcast %reduce_sum3A_19 : f32 to vector<1x1xf32>
    %neg3A = arith.constant 0.000000e+00 : f32
    %neg3A_21 = vector.broadcast %neg3A : f32 to vector<1x1xf32>
    %neg3A_22 = arith.subf %neg3A_21, %broadcast_in_dim3A_20 : vector<1x1xf32>
    %mul3A_23 = arith.constant 0.693147182 : f32
    %mul3A_24 = vector.broadcast %mul3A_23 : f32 to vector<1x1xf32>
    %mul3A_25 = arith.mulf %neg3A_22, %mul3A_24 : vector<1x1xf32>
    %exp3A = math.exp %mul3A_25 : vector<1x1xf32>
    %swap3A = arith.constant 0 : index
    %swap3A_26 = arith.constant 0 : index
    %swap3A_27 = vector.load %arg5[%swap3A, %swap3A_26] : memref<1x1xf32, #tpu.memory_space<vmem>>, vector<1x1xf32>
    tpu.vector_store %arg5[%swap3A, %swap3A_26], %exp3A {strides = array<i32>} : memref<1x1xf32, #tpu.memory_space<vmem>>, vector<1x1xf32>,
    %get3A_28 = arith.constant 0 : index
    %get3A_29 = arith.constant 0 : index
    %get3A_30 = vector.load %arg1[%get3A_28, %get3A_29] : memref<1x1xf32, #tpu.memory_space<vmem>>, vector<1x1xf32>
    %mul3A_31 = arith.constant 9.53674316E-7 : f32
    %mul3A_32 = vector.broadcast %mul3A_31 : f32 to vector<1x1xf32>
    %mul3A_33 = arith.mulf %get3A_30, %mul3A_32 : vector<1x1xf32>
    %swap3A_34 = arith.constant 0 : index
    %swap3A_35 = arith.constant 0 : index
    %swap3A_36 = vector.load %arg3[%swap3A_34, %swap3A_35] : memref<1x1xf32, #tpu.memory_space<vmem>>, vector<1x1xf32>
    tpu.vector_store %arg3[%swap3A_34, %swap3A_35], %mul3A_33 {strides = array<i32>} : memref<1x1xf32, #tpu.memory_space<vmem>>, vector<1x1xf32>,
    %swap3A_37 = arith.constant 0 : index
    %swap3A_38 = arith.constant 0 : index
    %swap3A_39 = vector.load %arg4[%swap3A_37, %swap3A_38] : memref<1x1xf32, #tpu.memory_space<vmem>>, vector<1x1xf32>
    tpu.vector_store %arg4[%swap3A_37, %swap3A_38], %mul3A_33 {strides = array<i32>} : memref<1x1xf32, #tpu.memory_space<vmem>>, vector<1x1xf32>,
    %mul3A_40 = arith.constant 2.500000e-01 : f32
    %mul3A_41 = vector.broadcast %mul3A_40 : f32 to vector<1x1xf32>
    %mul3A_42 = arith.mulf %mul3A_41, %mul3A_33 : vector<1x1xf32>
    %add3A_43 = arith.addf %mul3A_33, %mul3A_42 : vector<1x1xf32>
    %swap3A_44 = arith.constant 0 : index
    %swap3A_45 = arith.constant 0 : index
    %swap3A_46 = vector.load %arg2[%swap3A_44, %swap3A_45] : memref<1x1xf32, #tpu.memory_space<vmem>>, vector<1x1xf32>
    tpu.vector_store %arg2[%swap3A_44, %swap3A_45], %add3A_43 {strides = array<i32>} : memref<1x1xf32, #tpu.memory_space<vmem>>, vector<1x1xf32>,
    return
  }
}

</mosaic_0001>

<sc_bundles>
// kernel: kernel.5.cloned.1.call-start
scs
__scs_entry_jumppad:
0x0: {  	(pc) =	sbr.rel $0x88, $3  }
0x1: {  	(tag) =	ssettag $0x0;
	lr =	simm.s32 $0x1  }
0x2: {  	[smem:$0x3F9F] =	sst lr;
	_ =	strace $0xD0000000  }
0x3: {  	_ = 	snop  }
0x4: {  	_ = 	snop  }
0x5: {  	_ = 	snop  }
0x6: {  	_ = 	snop  }
0x7: {  	_ = 	snop  }
__scs_overlays_trampoline_lowered:
0x8: {  	[smem:$0x3FAE] =	sst s0  }
0x9: {  	[smem:$0x3FAF] =	sst s1  }
0xa: {  	[smem:$0x3FB0] =	sst s2  }
0xb: {  	[smem:$0x3FB1] =	sst s3  }
0xc: {  	[smem:$0x3FB2] =	sst s4  }
0xd: {  	[smem:$0x3FB3] =	sst s5  }
0xe: {  	[smem:$0x3FB4] =	sst s6  }
0xf: {  	[smem:$0x3FB5] =	sst s7  }
0x10: {  	[smem:$0x3FB6] =	sst s8  }
0x11: {  	[smem:$0x3FB7] =	sst s9;
	s0 =	simm.s32 @!p0 $0x0  }
0x12: {  	s1 =	sld [smem:$0x3F9D];
	s0 =	simm.s32 @p0 $0x1  }
0x13: {  	[smem:$0x3FB8] =	sst s0;
	s0 =	simm.s32 @!p1 $0x0  }
0x14: {  	s2 =	sld [smem:$0x3F9C];
	s0 =	simm.s32 @p1 $0x1  }
0x15: {  	[smem:$0x3FB9] =	sst s0;
	s0 =	simm.s32 @!p2 $0x0  }
0x16: {  	s3 =	sld [smem:$0x3FDB];
	s0 =	simm.s32 @p2 $0x1  }
0x17: {  	s4 =	simm.s32 $0x1BF5;
	[smem:$0x3FBB] =	sst s0  }
0x18: {  	s0 =	sld [smem:$0x3F9E];
	_ =	swait.ge [sflag:s4], $0x0  }
0x19: {  	s7 =	sld [smem:$0x3F9F]  }
0x1a: {  	s8 =	sadd.s32 $0xFFFFE003, lr  }
0x1b: {  	s9 =	sadd.s32 $0xFFFFFEF7, lr;
	s5 =	simm.s32 $0xFFFFFFFF;
	p2 =	slt.u32 s8, $0xFFFFF086  }
0x1c: {  	p1 =	slt.u32 s9, $0xF7A;
	s5 =	simm.s32 @!p2 $0x0  }
0x1d: {  	s5 =	simm.s32 @p1 $0x1;
	p0 =	seq.s32 s7, s2  }
0x1e: {  	s7 =	smul.u32 @!p0 $0xF7A, s2;
	p2 =	seq.s32 @!p0 s5, $0x0  }
0x1f: {  	s9 =	smul.u32 $0xF7A, s1;
	s8 =	simm.s32 @!p0 $0x1BF5;
	p2 =	por !p2, p0  }
0x20: {  	[sflag:s8] =	ssyncset.s32 @!p0 $0xFFFFF086;
	s6 =	sadd.s32 @!p0 s3, s7;
	s7 =	simm.s32 @!p0 $0x108  }
0x21: {  	s3 =	sadd.s32 s3, s9;
	s6 =	sadd.s32 @!p0 $0x88, s6;
	s7 =	simm.s32 @p2 $0x1082  }
0x22: {  	[simem:s7], [sflag:s8] =	dma.local @!p0 [hbm:s6], $0xF7A  }
0x23: {  	s9 =	sor.u32 $0xD0000000, s2;
	s6 =	simm.s32 $0x108;
	_ =	swait.ge @!p0 [sflag:s8], $0x0  }
0x24: {  	s3 =	sadd.s32 $0x88, s3;
	s6 =	simm.s32 @!p1 $0x1082;
	[sflag:s4] =	ssyncset.s32 $0xFFFFF086  }
0x25: {  	[simem:s6], [sflag:s4] =	dma.local [hbm:s3], $0xF7A  }
0x26: {  	[smem:$0x3F9F] =	sst s1;
	(tag) =	ssettag s2;
	_ =	strace s9  }
0x27: {  	s1 =	sld [smem:$0x3FAF]  }
0x28: {  	s2 =	sld [smem:$0x3FB0]  }
0x29: {  	s4 =	sld [smem:$0x3FB2]  }
0x2a: {  	p0 =	seq.s32 s5, $0x0;
	s5 =	sld [smem:$0x3FB3]  }
0x2b: {  	s6 =	sld [smem:$0x3FB4]  }
0x2c: {  	s7 =	sld [smem:$0x3FB5]  }
0x2d: {  	s3 =	simm.s32 $0x108;
	s8 =	sld [smem:$0x3FB6]  }
0x2e: {  	s3 =	simm.s32 @!p0 $0x1082;
	s9 =	sld [smem:$0x3FB7]  }
0x2f: {  	lr =	sadd.s32 s0, s3;
	s0 =	sld [smem:$0x3FAE]  }
0x30: {  	s3 =	sld [smem:$0x3FB1]  }
0x31: {  	[smem:$0x3FBA] =	sst s10  }
0x32: {  	s10 =	sld [smem:$0x3FB8];
	_ =	sdelay $0x3  }
0x33: {  	p0 =	seq.s32 s10, $0x1;
	s10 =	sld [smem:$0x3FBA];
	_ =	sdelay $0x3  }
0x34: {  	[smem:$0x3FBA] =	sst s10  }
0x35: {  	s10 =	sld [smem:$0x3FB9];
	_ =	sdelay $0x3  }
0x36: {  	p1 =	seq.s32 s10, $0x1;
	s10 =	sld [smem:$0x3FBA];
	_ =	sdelay $0x3  }
0x37: {  	[smem:$0x3FBA] =	sst s10  }
0x38: {  	s10 =	sld [smem:$0x3FBB]  }
0x39: {  	_ = 	snop;
	(pc) =	sbr.ind lr, $3  }
0x3a: {  	_ = 	snop  }
0x3b: {  	_ = 	snop  }
0x3c: {  	p2 =	seq.s32 s10, $0x1;
	s10 =	sld [smem:$0x3FBA]  }
0x3d: {  	_ =	shalt  }
0x3e: {  	_ =	shalt  }
0x3f: {  	_ =	shalt  }
0x40: {  	_ =	shalt  }
0x41: {  	_ =	shalt  }
0x42: {  	_ =	shalt  }
0x43: {  	_ =	shalt  }
0x44: {  	_ =	shalt  }
0x45: {  	_ =	shalt  }
0x46: {  	_ =	shalt  }
0x47: {  	_ =	shalt  }
0x48: {  	_ =	shalt  }
0x49: {  	_ =	shalt  }
0x4a: {  	_ =	shalt  }
0x4b: {  	_ =	shalt  }
0x4c: {  	_ =	shalt  }
0x4d: {  	_ =	shalt  }
0x4e: {  	_ =	shalt  }
0x4f: {  	_ =	shalt  }
0x50: {  	_ =	shalt  }
0x51: {  	_ =	shalt  }
0x52: {  	_ =	shalt  }
0x53: {  	_ =	shalt  }
0x54: {  	_ =	shalt  }
0x55: {  	_ =	shalt  }
0x56: {  	_ =	shalt  }
0x57: {  	_ =	shalt  }
0x58: {  	_ =	shalt  }
0x59: {  	_ =	shalt  }
0x5a: {  	_ =	shalt  }
0x5b: {  	_ =	shalt  }
0x5c: {  	_ =	shalt  }
0x5d: {  	_ =	shalt  }
0x5e: {  	_ =	shalt  }
0x5f: {  	_ =	shalt  }
0x60: {  	_ =	shalt  }
0x61: {  	_ =	shalt  }
0x62: {  	_ =	shalt  }
0x63: {  	_ =	shalt  }
0x64: {  	_ =	shalt  }
0x65: {  	_ =	shalt  }
0x66: {  	_ =	shalt  }
0x67: {  	_ =	shalt  }
0x68: {  	_ =	shalt  }
0x69: {  	_ =	shalt  }
0x6a: {  	_ =	shalt  }
0x6b: {  	_ =	shalt  }
0x6c: {  	_ =	shalt  }
0x6d: {  	_ =	shalt  }
0x6e: {  	_ =	shalt  }
0x6f: {  	_ =	shalt  }
0x70: {  	_ =	shalt  }
0x71: {  	_ =	shalt  }
0x72: {  	_ =	shalt  }
0x73: {  	_ =	shalt  }
0x74: {  	_ =	shalt  }
0x75: {  	_ =	shalt  }
0x76: {  	_ =	shalt  }
0x77: {  	_ =	shalt  }
0x78: {  	_ =	shalt  }
0x79: {  	_ =	shalt  }
0x7a: {  	_ =	shalt  }
0x7b: {  	_ =	shalt  }
0x7c: {  	_ =	shalt  }
0x7d: {  	_ =	shalt  }
0x7e: {  	_ =	shalt  }
0x7f: {  	_ =	shalt  }
0x80: {  	_ =	shalt  }
0x81: {  	_ =	shalt  }
0x82: {  	_ =	shalt  }
0x83: {  	_ =	shalt  }
0x84: {  	_ =	shalt  }
0x85: {  	_ =	shalt  }
0x86: {  	_ =	shalt  }
0x87: {  	_ =	shalt  }
.Lfunc_end0:
.L_simem_size_0:
called_computation_lowered:
.L_overlay_start_0:
0x88: {  	s2 =	sld [smem:$0x3FD9]  }
0x89: {  	s3 =	sld [smem:$0x3FFE];
	_ =	sdelay $0x1  }
0x8a: {  	s1 =	srdreg.scid  }
0x8b: {  	s0 =	sand.u32 $0x1, s1  }
0x8c: {  	s16 =	sshll.u32 s0, $0xA;
	s2 =	sadd.s32 s3, s2  }
0x8d: {  	s2 =	sadd.s32 s2, s16  }
0x8e: {  	[smem:$0x3FC6] =	sst s2  }
0x8f: {  	_ = 	snop  }
0x90: {  	(tm) =	ssettm $0x1  }
0x91: {  	s17 =	sld [smem:$0x3FFB];
	_ =	sdelay $0x3  }
0x92: {  	_ =	strace s17  }
0x93: {  	s2 =	sld [smem:$0x3FFC];
	_ =	sdelay $0x3  }
0x94: {  	_ =	strace s2  }
0x95: {  	s2 =	sld [smem:$0x3FFD];
	_ =	sdelay $0x3  }
0x96: {  	_ =	strace s2  }
0x97: {  	_ =	strace $0x8FFFFFFF  }
0x98: {  	s18 =	sld [smem:$0x3FDB];
	_ =	sdelay $0x1  }
0x99: {  	s19 =	simm.s32 $_scs_section_size  }
0x9a: {  	s4 =	simm.s32 $_size__tile_overlayer_lowered;
	s5 =	simm.s32 $_tile_overlayer_lowered  }
0x9b: {  	s22 =	simm.s32 $0x1BFF;
	s21 =	sshll.u32 s5, $0x1;
	s2 =	sadd.s32 s19, s18  }
0x9c: {  	s6 =	simm.s32 $0x0;
	s20 =	sshll.u32 s4, $0x1;
	s4 =	sadd.s32 s21, s2  }
0x9d: {  	[timem:s6], [sflag:s22] =	dma.local [hbm:s4], s20  }
0x9e: {  	_ =	swait.ge [sflag:s22], s20  }
0x9f: {  	s3 =	ssub.s32 $0x0, s20;
	[sflag:s22] =	ssyncset.done $0x0  }
0xa0: {  	[sflag:s22] =	ssyncadd.s32 s3;
	_ =	sdelay $0x1  }
0xa1: {  	s23 =	simm.s32 $0x1B8B  }
0xa2: {  	_ =	swait.ge [sflag:s23], $0x1  }
0xa3: {  	[sflag:s23] =	ssyncset.done $0x0  }
0xa4: {  	s25 =	simm.s32 $0x1B8E;
	s24 =	sld [smem:$0x3FFE];
	[sflag:s23] =	ssyncadd.s32 $0xFFFFFFFF  }
0xa5: {  	s26 =	simm.s32 $execute0_lowered;
	[smem:$0x3FD2] =	sst s25  }
0xa6: {  	s4 =	sshll.u32 s26, $0x1;
	_ =	strace $0x80000046;
	[dreg:$0x1] =	wrdreg $0xFFFFFFFF  }
0xa7: {  	s28 =	simm.s32 $_size_execute0_lowered;
	s2 =	sadd.s32 s2, s4;
	[dreg:$0x0] =	wrdreg $0x0  }
0xa8: {  	s4 =	sshll.u32 s28, $0x1;
	[dreg:$0x2] =	wrdreg s2  }
0xa9: {  	[dreg:$0x3] =	wrdreg s4  }
0xaa: {  	[dreg:$0x4] =	wrdreg $0xC0  }
0xab: {  	_ =	task [dreg:s6], $0x5FFFF  }
0xac: {  	[dreg:$0x1] =	wrdreg $0xFFFFFFFF  }
0xad: {  	[dreg:$0x0] =	wrdreg $0x60  }
0xae: {  	[dreg:$0x2] =	wrdreg s24  }
0xaf: {  	[dreg:$0x3] =	wrdreg $0x9  }
0xb0: {  	_ =	task.clear_ibuf [dreg:s6], $0x4FFFF;
	_ =	strace $0x90000046  }
0xb1: {  	s29 =	simm.s32 $0x9;
	_ =	strace $0x80000048  }
0xb2: {  	_ =	swait.ge [sflag:s29], $0x1  }
0xb3: {  	[sflag:s29] =	ssyncadd.s32 $0xFFFFFFFF  }
0xb4: {  	_ =	strace $0x90000048  }
0xb5: {  	_ =	sfence  }
0xb6: {  	s30 =	sld [smem:$0x0];
	_ =	sdelay $0x2  }
0xb7: {  	s31 =	sshll.u32 s1, $0xD;
	s1 =	sshrl.u32 s1, $0x2  }
0xb8: {  	s3 =	sand.u32 $0x4000, s31;
	s1 =	sadd.s32 s1, s30  }
0xb9: {  	s0 =	sor.u32 s3, s0;
	s1 =	sshll.u32 s1, $0x11  }
0xba: {  	s0 =	sor.u32 s1, s0  }
0xbb: {  	s0 =	sadd.s32 $0x8F2B, s0  }
0xbc: {  	[sflag:s0] =	ssyncadd.remote.s32 $0x1  }
0xbd: {  	_ =	sfence.sel $0xFFFF  }
0xbe: {  	[dreg:$0x0] =	wrdreg $0xFFFFFFFF;
	(pc) =	sbr.abs _section_cstart, $3  }
0xbf: {  	[dreg:$0x1] =	wrdreg $0xFFFFFFFF  }
0xc0: {  	_ =	task.clear_ibuf [dreg:s6], $0x2FFFF;
	_ =	strace $0x9FFFFFFF  }
0xc1: {  	(tm) =	ssettm $0x7FFFFFFF  }
tec
execute0_lowered:
.L_overlay_start_1:
0x0: {  	(tag) =	ssettag $0x1  }
0x1: {  	s3 =	rddreg [dreg:$0x0]  }
0x2: {  	s2 =	simm.s32 $0x0;
	s4 =	srdreg.scid;
	s1 =	stileid.u32  }
0x3: {  	[smem:$0x7FF] =	sst s2;
	s4 =	sand.u32 $0x1, s4;
	s5 =	sshll.u32 s1, $0x1  }
0x4: {  	s0 =	rddreg [dreg:$0x1];
	_ =	strace $0x80000047;
	s5 =	sor.u32 s4, s5  }
0x5: {  	s4 =	ssub.s32 $0x2, s4;
	s6 =	sshll.u32 s5, $0x6;
	s5 =	sshll.u32 s5, $0x7  }
0x6: {  	s31 =	sshrl.u32 s4, $0x1;
	s6 =	sadd.s32 s6, s3;
	s5 =	sadd.s32 s5, s3  }
0x7: {  	s7 =	ssub.s32 s4, s31;
	s3 =	sadd.s32 $0xC00, s6;
	s4 =	sadd.s32 $0x1400, s5  }
0x8: {  	v0 =	vimm.f32 $0.0e+00;
	v1 =	vimm.f32 $1.000000000e+00;
	s5 =	smax.u32 s7, $0x1;
	s6 =	simm.s32 $0x1;
	s7 =	simm.s32 $0x200  }
.LBB2_1:
0x9: {  	[tilespmem:s2], [sflag:$0x1] =	stream.linear.gather [hbm4b:s3+s2], $0x200, $0x38;
	[tilespmem:$0x600] =	vst v63  }
0xa: {  	_ =	swait.ge [sflag:s6], $0x200  }
0xb: {  	[sflag:s6] =	ssyncset.done $0x0  }
0xc: {  	[sflag:s6] =	ssyncadd.s32 $0xFFFFFE00  }
0xd: {  	[tilespmem:$0x200] =	vst v0  }
0xe: {  	[tilespmem:$0x210] =	vst v0  }
0xf: {  	[tilespmem:$0x220] =	vst v0  }
0x10: {  	[tilespmem:$0x230] =	vst v0  }
0x11: {  	[tilespmem:$0x240] =	vst v0  }
0x12: {  	[tilespmem:$0x250] =	vst v0  }
0x13: {  	[tilespmem:$0x260] =	vst v0  }
0x14: {  	[tilespmem:$0x270] =	vst v0  }
0x15: {  	[tilespmem:$0x280] =	vst v0  }
0x16: {  	[tilespmem:$0x290] =	vst v0  }
0x17: {  	[tilespmem:$0x2A0] =	vst v0  }
0x18: {  	[tilespmem:$0x2B0] =	vst v0  }
0x19: {  	[tilespmem:$0x2C0] =	vst v0  }
0x1a: {  	[tilespmem:$0x2D0] =	vst v0  }
0x1b: {  	[tilespmem:$0x2E0] =	vst v0  }
0x1c: {  	[tilespmem:$0x2F0] =	vst v0  }
0x1d: {  	[tilespmem:$0x300] =	vst v0  }
0x1e: {  	[tilespmem:$0x310] =	vst v0  }
0x1f: {  	[tilespmem:$0x320] =	vst v0  }
0x20: {  	[tilespmem:$0x330] =	vst v0  }
0x21: {  	[tilespmem:$0x340] =	vst v0  }
0x22: {  	[tilespmem:$0x350] =	vst v0  }
0x23: {  	[tilespmem:$0x360] =	vst v0  }
0x24: {  	[tilespmem:$0x370] =	vst v0  }
0x25: {  	[tilespmem:$0x380] =	vst v0  }
0x26: {  	[tilespmem:$0x390] =	vst v0  }
0x27: {  	[tilespmem:$0x3A0] =	vst v0  }
0x28: {  	[tilespmem:$0x3B0] =	vst v0  }
0x29: {  	[tilespmem:$0x3C0] =	vst v0  }
0x2a: {  	[tilespmem:$0x3D0] =	vst v0  }
0x2b: {  	[tilespmem:$0x3E0] =	vst v0  }
0x2c: {  	[tilespmem:$0x3F0] =	vst v0  }
0x2d: {  	[tilespmem:$0x400] =	vst v0  }
0x2e: {  	[tilespmem:$0x410] =	vst v0  }
0x2f: {  	[tilespmem:$0x420] =	vst v0  }
0x30: {  	[tilespmem:$0x430] =	vst v0  }
0x31: {  	[tilespmem:$0x440] =	vst v0  }
0x32: {  	[tilespmem:$0x450] =	vst v0  }
0x33: {  	[tilespmem:$0x460] =	vst v0  }
0x34: {  	[tilespmem:$0x470] =	vst v0  }
0x35: {  	[tilespmem:$0x480] =	vst v0  }
0x36: {  	[tilespmem:$0x490] =	vst v0  }
0x37: {  	[tilespmem:$0x4A0] =	vst v0  }
0x38: {  	[tilespmem:$0x4B0] =	vst v0  }
0x39: {  	[tilespmem:$0x4C0] =	vst v0  }
0x3a: {  	[tilespmem:$0x4D0] =	vst v0  }
0x3b: {  	[tilespmem:$0x4E0] =	vst v0  }
0x3c: {  	[tilespmem:$0x4F0] =	vst v0  }
0x3d: {  	[tilespmem:$0x500] =	vst v0  }
0x3e: {  	[tilespmem:$0x510] =	vst v0  }
0x3f: {  	[tilespmem:$0x520] =	vst v0  }
0x40: {  	[tilespmem:$0x530] =	vst v0  }
0x41: {  	[tilespmem:$0x540] =	vst v0  }
0x42: {  	[tilespmem:$0x550] =	vst v0  }
0x43: {  	[tilespmem:$0x560] =	vst v0  }
0x44: {  	[tilespmem:$0x570] =	vst v0  }
0x45: {  	[tilespmem:$0x580] =	vst v0;
	v2 =	vld [tilespmem:$0x0]  }
0x46: {  	[tilespmem:$0x590] =	vst v0  }
0x47: {  	[tilespmem:$0x5A0] =	vst v0  }
0x48: {  	[tilespmem:$0x5B0] =	vst v0  }
0x49: {  	[tilespmem:$0x5C0] =	vst v0  }
0x4a: {  	[tilespmem:$0x5D0] =	vst v0  }
0x4b: {  	[tilespmem:$0x5E0] =	vst v0  }
0x4c: {  	[tilespmem:$0x5F0] =	vst v0  }
0x4d: {  	[tilespmem:v2+s7+$0x0] =	vst.idx.add.f32.msk $0xffff, v1  }
0x4e: {  	v2 =	vld [tilespmem:$0x10];
	_ =	sdelay $0x7  }
0x4f: {  	[tilespmem:v2+s7+$0x0] =	vst.idx.add.f32.msk $0xffff, v1  }
0x50: {  	v2 =	vld [tilespmem:$0x20];
	_ =	sdelay $0x7  }
0x51: {  	[tilespmem:v2+s7+$0x0] =	vst.idx.add.f32.msk $0xffff, v1  }
0x52: {  	v2 =	vld [tilespmem:$0x30];
	_ =	sdelay $0x7  }
0x53: {  	[tilespmem:v2+s7+$0x0] =	vst.idx.add.f32.msk $0xffff, v1  }
0x54: {  	v2 =	vld [tilespmem:$0x40];
	_ =	sdelay $0x7  }
0x55: {  	[tilespmem:v2+s7+$0x0] =	vst.idx.add.f32.msk $0xffff, v1  }
0x56: {  	v2 =	vld [tilespmem:$0x50];
	_ =	sdelay $0x7  }
0x57: {  	[tilespmem:v2+s7+$0x0] =	vst.idx.add.f32.msk $0xffff, v1  }
0x58: {  	v2 =	vld [tilespmem:$0x60];
	_ =	sdelay $0x7  }
0x59: {  	[tilespmem:v2+s7+$0x0] =	vst.idx.add.f32.msk $0xffff, v1  }
0x5a: {  	v2 =	vld [tilespmem:$0x70];
	_ =	sdelay $0x7  }
0x5b: {  	[tilespmem:v2+s7+$0x0] =	vst.idx.add.f32.msk $0xffff, v1  }
0x5c: {  	v2 =	vld [tilespmem:$0x80];
	_ =	sdelay $0x7  }
0x5d: {  	[tilespmem:v2+s7+$0x0] =	vst.idx.add.f32.msk $0xffff, v1  }
0x5e: {  	v2 =	vld [tilespmem:$0x90];
	_ =	sdelay $0x7  }
0x5f: {  	[tilespmem:v2+s7+$0x0] =	vst.idx.add.f32.msk $0xffff, v1  }
0x60: {  	v2 =	vld [tilespmem:$0xA0];
	_ =	sdelay $0x7  }
0x61: {  	[tilespmem:v2+s7+$0x0] =	vst.idx.add.f32.msk $0xffff, v1  }
0x62: {  	v2 =	vld [tilespmem:$0xB0];
	_ =	sdelay $0x7  }
0x63: {  	[tilespmem:v2+s7+$0x0] =	vst.idx.add.f32.msk $0xffff, v1  }
0x64: {  	v2 =	vld [tilespmem:$0xC0];
	_ =	sdelay $0x7  }
0x65: {  	[tilespmem:v2+s7+$0x0] =	vst.idx.add.f32.msk $0xffff, v1  }
0x66: {  	v2 =	vld [tilespmem:$0xD0];
	_ =	sdelay $0x7  }
0x67: {  	[tilespmem:v2+s7+$0x0] =	vst.idx.add.f32.msk $0xffff, v1  }
0x68: {  	v2 =	vld [tilespmem:$0xE0];
	_ =	sdelay $0x7  }
0x69: {  	[tilespmem:v2+s7+$0x0] =	vst.idx.add.f32.msk $0xffff, v1  }
0x6a: {  	v2 =	vld [tilespmem:$0xF0];
	_ =	sdelay $0x7  }
0x6b: {  	[tilespmem:v2+s7+$0x0] =	vst.idx.add.f32.msk $0xffff, v1  }
0x6c: {  	v2 =	vld [tilespmem:$0x100];
	_ =	sdelay $0x7  }
0x6d: {  	[tilespmem:v2+s7+$0x0] =	vst.idx.add.f32.msk $0xffff, v1  }
0x6e: {  	v2 =	vld [tilespmem:$0x110];
	_ =	sdelay $0x7  }
0x6f: {  	[tilespmem:v2+s7+$0x0] =	vst.idx.add.f32.msk $0xffff, v1  }
0x70: {  	v2 =	vld [tilespmem:$0x120];
	_ =	sdelay $0x7  }
0x71: {  	[tilespmem:v2+s7+$0x0] =	vst.idx.add.f32.msk $0xffff, v1  }
0x72: {  	v2 =	vld [tilespmem:$0x130];
	_ =	sdelay $0x7  }
0x73: {  	[tilespmem:v2+s7+$0x0] =	vst.idx.add.f32.msk $0xffff, v1  }
0x74: {  	v2 =	vld [tilespmem:$0x140];
	_ =	sdelay $0x7  }
0x75: {  	[tilespmem:v2+s7+$0x0] =	vst.idx.add.f32.msk $0xffff, v1  }
0x76: {  	v2 =	vld [tilespmem:$0x150];
	_ =	sdelay $0x7  }
0x77: {  	[tilespmem:v2+s7+$0x0] =	vst.idx.add.f32.msk $0xffff, v1  }
0x78: {  	v2 =	vld [tilespmem:$0x160];
	_ =	sdelay $0x7  }
0x79: {  	[tilespmem:v2+s7+$0x0] =	vst.idx.add.f32.msk $0xffff, v1  }
0x7a: {  	v2 =	vld [tilespmem:$0x170];
	_ =	sdelay $0x7  }
0x7b: {  	[tilespmem:v2+s7+$0x0] =	vst.idx.add.f32.msk $0xffff, v1  }
0x7c: {  	v2 =	vld [tilespmem:$0x180];
	_ =	sdelay $0x7  }
0x7d: {  	[tilespmem:v2+s7+$0x0] =	vst.idx.add.f32.msk $0xffff, v1  }
0x7e: {  	v2 =	vld [tilespmem:$0x190];
	_ =	sdelay $0x7  }
0x7f: {  	[tilespmem:v2+s7+$0x0] =	vst.idx.add.f32.msk $0xffff, v1  }
0x80: {  	v2 =	vld [tilespmem:$0x1A0];
	_ =	sdelay $0x7  }
0x81: {  	[tilespmem:v2+s7+$0x0] =	vst.idx.add.f32.msk $0xffff, v1  }
0x82: {  	v2 =	vld [tilespmem:$0x1B0];
	_ =	sdelay $0x7  }
0x83: {  	[tilespmem:v2+s7+$0x0] =	vst.idx.add.f32.msk $0xffff, v1  }
0x84: {  	v2 =	vld [tilespmem:$0x1C0];
	_ =	sdelay $0x7  }
0x85: {  	[tilespmem:v2+s7+$0x0] =	vst.idx.add.f32.msk $0xffff, v1  }
0x86: {  	v2 =	vld [tilespmem:$0x1D0];
	_ =	sdelay $0x7  }
0x87: {  	[tilespmem:v2+s7+$0x0] =	vst.idx.add.f32.msk $0xffff, v1  }
0x88: {  	v2 =	vld [tilespmem:$0x1E0];
	_ =	sdelay $0x7  }
0x89: {  	[tilespmem:v2+s7+$0x0] =	vst.idx.add.f32.msk $0xffff, v1  }
0x8a: {  	v2 =	vld [tilespmem:$0x1F0];
	_ =	sdelay $0x6  }
0x8b: {  	p0 =	sne.s32 s5, $0x1  }
.Ltmp0:
0x8c: {  	[tilespmem:v2+s7+$0x0] =	vst.idx.add.f32.msk $0xffff, v1;
	(pc) =	sbr.rel @p0 .LBB2_1-.Ltmp0, $4  }
0x8d: {  	[hbm4b:s4+s2] =	stream.linear.scatter [tilespmem:s7], [sflag:$0x1], $0x400, $0x38;
	[tilespmem:$0x600] =	vst v63  }
0x8e: {  	_ =	swait.ge [sflag:s6], $0x400  }
0x8f: {  	[sflag:s6] =	ssyncset.done $0x0  }
0x90: {  	s5 =	sadd.s32 $0xFFFFFFFF, s5;
	[sflag:s6] =	ssyncadd.s32 $0xFFFFFC00  }
0x91: {  	_ =	sfence.sel $0x180000  }
0x92: {  	[bflag:$0x0] =	sbarrier.arrive $0xFFFF  }
0x93: {  	p0 =	sne.s32 s1, $0x0;
	_ =	strace $0x90000047  }
0x94: {  	s0 =	sadd.s32 @!p0 $0x100000, s0;
	[bflag:$0x2] =	sbarrier.arrive $0xFFFF  }
0x95: {  	[sflag:s0] =	ssyncadd.tile.s32 @!p0 $0x1;
	_ =	shalt  }
.Lfunc_end2:
_tile_overlayer_lowered:
.L_overlay_start_2:
0x96: {  	(tag) =	ssettag $0x2  }
0x97: {  	s0 =	rddreg [dreg:$0x0];
	s2 =	stileid.u32  }
0x98: {  	s1 =	rddreg [dreg:$0x1];
	p0 =	sne.s32 s2, $0x0  }
0x99: {  	s3 =	rddreg [dreg:$0x2];
	[bflag:$0x3] =	sbarrier.arrive $0xFFFF;
	s2 =	simm.s32 @!p0 $0x1C01  }
0x9a: {  	[timem:s3], [sflag:s2] =	dma.local @!p0 [hbm:s0], s1  }
0x9b: {  	s0 =	simm.s32 @!p0 $0x1  }
0x9c: {  	_ =	swait.ge @!p0 [sflag:s0], s1  }
0x9d: {  	s1 =	ssub.s32 @!p0 $0x0, s1;
	[sflag:s0] =	ssyncset.done @!p0 $0x0  }
0x9e: {  	[sflag:s0] =	ssyncadd.s32 @!p0 s1  }
0x9f: {  	[bflag:$0x3] =	sbarrier.arrive $0xFFFF  }
0xa0: {  	_ =	shalt  }

</sc_bundles>
